<compile_context>
chip_gen: v7x
topology: tpu7x:2x2x1
jax: 0.10.2.dev20260603
libtpu: 0.0.44.dev20260713+nightly
codegen_flags: <defaults>
</compile_context>

<pallas_src>
import functools

import jax
import jax.numpy as jnp
from jax import lax
from jax.experimental import pallas as pl
from jax.experimental.pallas import tpu as pltpu
from jax.experimental.pallas import tpu_sc as plsc

DIM = 4096
N_TOKENS = 8192
L = 16
NC = 2
NS = 16
NW = NC * NS
ROWS_PER_W = N_TOKENS // NW
R = 8
HR = R // 2
N_CHUNKS = ROWS_PER_W // R
NBLK = DIM // L


def _permute_body(x_hbm, p_hbm, out_hbm, p_v, x0, x1, o0, o1,
                  si0, si1, so0, so1):
    c = lax.axis_index("c")
    s = lax.axis_index("s")
    wid = s * NC + c
    row0 = wid * ROWS_PER_W

    xb = (x0, x1)
    ob = (o0, o1)
    sin = (si0, si1)
    sout = (so0, so1)

    pltpu.sync_copy(p_hbm, p_v)

    def in_copy(g, b):
        return pltpu.make_async_copy(
            x_hbm.at[pl.ds(row0 + g * R, R)], xb[b], sin[b])

    def out_copy(g, h):
        return pltpu.make_async_copy(
            ob[h], out_hbm.at[pl.ds(row0 + g * R + h * HR, HR)], sout[h])

    in_copy(0, 0).start()

    def chunk_loop(i, carry):
        for b in range(2):
            g = i * 2 + b

            @pl.when(g + 1 < N_CHUNKS)
            def _():
                in_copy(g + 1, 1 - b).start()

            in_copy(g, b).wait()

            x_v = xb[b]

            for h in range(2):
                @pl.when(g >= 1)
                def _():
                    out_copy(g - 1, h).wait()

                o_v = ob[h]

                @plsc.parallel_loop(0, NBLK, unroll=8)
                def blk(jb):
                    idx = p_v[pl.ds(jb * L, L)]
                    for r in range(HR):
                        ridx = jnp.full((L,), h * HR + r, dtype=jnp.int32)
                        vals = plsc.load_gather(x_v, [ridx, idx])
                        o_v[r, pl.ds(jb * L, L)] = vals

                out_copy(g, h).start()
        return carry

    lax.fori_loop(0, N_CHUNKS // 2, chunk_loop, 0)

    for h in range(2):
        out_copy(N_CHUNKS - 1, h).wait()


@jax.jit
def _permute_in(x, p32):
    mesh = plsc.VectorSubcoreMesh(core_axis_name="c", subcore_axis_name="s")
    f = functools.partial(
        pl.kernel,
        out_type=jax.ShapeDtypeStruct((N_TOKENS, DIM), jnp.float32),
        mesh=mesh,
        scratch_types=[
            pltpu.VMEM((DIM,), jnp.int32),
            pltpu.VMEM((R, DIM), jnp.float32),
            pltpu.VMEM((R, DIM), jnp.float32),
            pltpu.VMEM((HR, DIM), jnp.float32),
            pltpu.VMEM((HR, DIM), jnp.float32),
            pltpu.SemaphoreType.DMA,
            pltpu.SemaphoreType.DMA,
            pltpu.SemaphoreType.DMA,
            pltpu.SemaphoreType.DMA,
        ],
        compiler_params=pltpu.CompilerParams(
            use_tc_tiling_on_sc=True, needs_layout_passes=False
        ),
    )(_permute_body)
    return f(x, p32)


def kernel(x, permute):
    return _permute_in(x, permute.astype(jnp.int32))

# --- scband reference (transcript-rebuilt; emitter-appended) ---
"""Pipeline reference for scband-permute-in-22763326668986 (READ-ONLY COPY).

The authoritative reference and input builder live on the scoring server;
editing this copy changes nothing except your own understanding.
"""

import jax, jax.numpy as jnp
import numpy as np

DIM = 4096
N_TOKENS = 8192

def setup_inputs(seed: int = 0) -> dict:
    key = jax.random.key(seed)
    kx, kp = jax.random.split(key)
    x = jax.random.normal(kx, (N_TOKENS, DIM), dtype=jnp.float32)
    # buffer: random permutation of [0, dim), matching mode='random'
    permute = jax.random.permutation(kp, jnp.arange(DIM, dtype=jnp.int64))
    return {"x": x, "permute": permute}

def reference(x, permute):
    # PermuteIn.forward: x[:, self.permute]  -> gather along axis 1
    return jnp.take(x, permute, axis=1)

if __name__ == "__main__":
    import jax
    _d = setup_inputs()
    print(jax.jit(kernel)(*tuple(_d.values())))

</pallas_src>

<mosaic_0001>
#map = affine_map<(d0, d1) -> (0, 0)>
#map1 = affine_map<(d0, d1) -> (0)>
module attributes {stable_mosaic.version = 14 : i64} {
  func.func @_permute_body(%arg0: i32, %arg1: i32, %arg2: memref<8192x4096xf32, #tpu.memory_space<hbm>>, %arg3: memref<4096xi32, #tpu.memory_space<hbm>>, %arg4: memref<8192x4096xf32, #tpu.memory_space<hbm>>, %arg5: memref<4096xi32, #tpu.memory_space<vmem>>, %arg6: memref<8x4096xf32, #tpu.memory_space<vmem>>, %arg7: memref<8x4096xf32, #tpu.memory_space<vmem>>, %arg8: memref<4x4096xf32, #tpu.memory_space<vmem>>, %arg9: memref<4x4096xf32, #tpu.memory_space<vmem>>, %arg10: memref<!tpu.dma_semaphore, #tpu.memory_space<semaphore_mem>>, %arg11: memref<!tpu.dma_semaphore, #tpu.memory_space<semaphore_mem>>, %arg12: memref<!tpu.dma_semaphore, #tpu.memory_space<semaphore_mem>>, %arg13: memref<!tpu.dma_semaphore, #tpu.memory_space<semaphore_mem>>) attributes {dimension_semantics = [#tpu.dimension_semantics<core_parallel>, #tpu.dimension_semantics<subcore_parallel>], iteration_bounds = array<i64: 2, 16>, scalar_prefetch = 0 : i64, scratch_operands = 9 : i64, tpu.core_type = #tpu.core_type<sc_vector_subcore>, window_params = [{transform_indices = #map}, {transform_indices = #map1}, {transform_indices = #map}]} {
    %mul3A = arith.constant 2 : i32
    %mul3A_0 = arith.muli %arg1, %mul3A : i32
    %add3A = arith.addi %mul3A_0, %arg0 : i32
    %mul3A_1 = arith.constant 256 : i32
    %mul3A_2 = arith.muli %add3A, %mul3A_1 : i32
    "tpu.region"() ({
      %run_scoped3A = tpu.sem_alloc : memref<!tpu.dma_semaphore, #tpu.memory_space<semaphore_mem>>
      tpu.enqueue_dma source(%arg3 : memref<4096xi32, #tpu.memory_space<hbm>>) target(%arg5 : memref<4096xi32, #tpu.memory_space<vmem>>) target_semaphore(%run_scoped3A : memref<!tpu.dma_semaphore, #tpu.memory_space<semaphore_mem>>)
      tpu.wait_dma2 semaphore(%run_scoped3A : memref<!tpu.dma_semaphore, #tpu.memory_space<semaphore_mem>>) src(%arg3 : memref<4096xi32, #tpu.memory_space<hbm>>) dst(%arg5 : memref<4096xi32, #tpu.memory_space<vmem>>)
      tpu.yield
    }) : () -> ()
    %add3A_3 = arith.constant 0 : i32
    %add3A_4 = arith.addi %mul3A_2, %add3A_3 : i32
    %dma_start3A = arith.constant 0 : i32
    %dma_start3A_5 = tpu.memref_slice %arg2[%add3A_4, %dma_start3A] : memref<8192x4096xf32, #tpu.memory_space<hbm>> -> memref<8x4096xf32, #tpu.memory_space<hbm>>
    %dma_start3A_6 = arith.constant 0 : i32
    %dma_start3A_7 = tpu.memref_slice %arg2[%add3A_4, %dma_start3A_6] : memref<8192x4096xf32, #tpu.memory_space<hbm>> -> memref<8x4096xf32, #tpu.memory_space<hbm>>
    tpu.enqueue_dma source(%dma_start3A_7 : memref<8x4096xf32, #tpu.memory_space<hbm>>) target(%arg6 : memref<8x4096xf32, #tpu.memory_space<vmem>>) target_semaphore(%arg10 : memref<!tpu.dma_semaphore, #tpu.memory_space<semaphore_mem>>)
    %scan3A = arith.constant 0 : i32
    %scan3A_8 = arith.constant 0 : i32
    %scan3A_9 = arith.constant 16 : i32
    %scan3A_10 = arith.addi %scan3A_8, %scan3A_9 : i32
    %scan3A_11 = arith.constant 1 : i32
    scf.for %scan3A_28 = %scan3A_8 to %scan3A_10 step %scan3A_11  : i32 {
      %mul3A_29 = arith.constant 2 : i32
      %mul3A_30 = arith.muli %scan3A_28, %mul3A_29 : i32
      %add3A_31 = arith.constant 0 : i32
      %add3A_32 = arith.addi %mul3A_30, %add3A_31 : i32
      %add3A_33 = arith.constant 1 : i32
      %add3A_34 = arith.addi %add3A_32, %add3A_33 : i32
      %lt3A = arith.constant 32 : i32
      %lt3A_35 = arith.cmpi slt, %add3A_34, %lt3A : i32
      %convert_element_type3A = arith.extui %lt3A_35 : i1 to i32
      %cond3A = arith.constant 0 : i32
      %cond3A_36 = arith.cmpi ne, %convert_element_type3A, %cond3A : i32
      scf.if %cond3A_36 {
        %add3A_128 = arith.constant 1 : i32
        %add3A_129 = arith.addi %add3A_32, %add3A_128 : i32
        %mul3A_130 = arith.constant 8 : i32
        %mul3A_131 = arith.muli %add3A_129, %mul3A_130 : i32
        %add3A_132 = arith.addi %mul3A_2, %mul3A_131 : i32
        %dma_start3A_133 = arith.constant 0 : i32
        %dma_start3A_134 = tpu.memref_slice %arg2[%add3A_132, %dma_start3A_133] : memref<8192x4096xf32, #tpu.memory_space<hbm>> -> memref<8x4096xf32, #tpu.memory_space<hbm>>
        %dma_start3A_135 = arith.constant 0 : i32
        %dma_start3A_136 = tpu.memref_slice %arg2[%add3A_132, %dma_start3A_135] : memref<8192x4096xf32, #tpu.memory_space<hbm>> -> memref<8x4096xf32, #tpu.memory_space<hbm>>
        tpu.enqueue_dma source(%dma_start3A_136 : memref<8x4096xf32, #tpu.memory_space<hbm>>) target(%arg7 : memref<8x4096xf32, #tpu.memory_space<vmem>>) target_semaphore(%arg11 : memref<!tpu.dma_semaphore, #tpu.memory_space<semaphore_mem>>)
      } else {
      }
      %mul3A_37 = arith.constant 8 : i32
      %mul3A_38 = arith.muli %add3A_32, %mul3A_37 : i32
      %add3A_39 = arith.addi %mul3A_2, %mul3A_38 : i32
      %dma_wait3A_40 = arith.constant 0 : i32
      %dma_wait3A_41 = tpu.memref_slice %arg2[%add3A_39, %dma_wait3A_40] : memref<8192x4096xf32, #tpu.memory_space<hbm>> -> memref<8x4096xf32, #tpu.memory_space<hbm>>
      %dma_wait3A_42 = arith.constant 0 : i32
      %dma_wait3A_43 = tpu.memref_slice %arg2[%add3A_39, %dma_wait3A_42] : memref<8192x4096xf32, #tpu.memory_space<hbm>> -> memref<8x4096xf32, #tpu.memory_space<hbm>>
      tpu.wait_dma2 semaphore(%arg10 : memref<!tpu.dma_semaphore, #tpu.memory_space<semaphore_mem>>) src(%dma_wait3A_43 : memref<8x4096xf32, #tpu.memory_space<hbm>>) dst(%arg6 : memref<8x4096xf32, #tpu.memory_space<vmem>>)
      %ge3A = arith.constant 1 : i32
      %ge3A_44 = arith.cmpi sge, %add3A_32, %ge3A : i32
      %convert_element_type3A_45 = arith.extui %ge3A_44 : i1 to i32
      %cond3A_46 = arith.constant 0 : i32
      %cond3A_47 = arith.cmpi ne, %convert_element_type3A_45, %cond3A_46 : i32
      scf.if %cond3A_47 {
        %sub3A = arith.constant 1 : i32
        %sub3A_128 = arith.subi %add3A_32, %sub3A : i32
        %mul3A_129 = arith.constant 8 : i32
        %mul3A_130 = arith.muli %sub3A_128, %mul3A_129 : i32
        %add3A_131 = arith.addi %mul3A_2, %mul3A_130 : i32
        %add3A_132 = arith.constant 0 : i32
        %add3A_133 = arith.addi %add3A_131, %add3A_132 : i32
        %dma_wait3A_134 = arith.constant 0 : i32
        %dma_wait3A_135 = tpu.memref_slice %arg4[%add3A_133, %dma_wait3A_134] : memref<8192x4096xf32, #tpu.memory_space<hbm>> -> memref<4x4096xf32, #tpu.memory_space<hbm>>
        %dma_wait3A_136 = arith.constant 0 : i32
        %dma_wait3A_137 = tpu.memref_slice %arg4[%add3A_133, %dma_wait3A_136] : memref<8192x4096xf32, #tpu.memory_space<hbm>> -> memref<4x4096xf32, #tpu.memory_space<hbm>>
        tpu.wait_dma2 semaphore(%arg12 : memref<!tpu.dma_semaphore, #tpu.memory_space<semaphore_mem>>) src(%arg8 : memref<4x4096xf32, #tpu.memory_space<vmem>>) dst(%dma_wait3A_137 : memref<4x4096xf32, #tpu.memory_space<hbm>>)
      } else {
      }
      %parallel_loop3A = arith.constant 0 : i32
      %parallel_loop3A_48 = arith.constant 256 : i32
      %parallel_loop3A_49 = arith.constant 1 : i32
      scf.for %parallel_loop3A_128 = %parallel_loop3A to %parallel_loop3A_48 step %parallel_loop3A_49  : i32 {
        %parallel_loop3A_129 = arith.constant 16 : i32
        %parallel_loop3A_130 = arith.muli %parallel_loop3A_128, %parallel_loop3A_129 : i32
        %parallel_loop3A_131 = arith.index_cast %parallel_loop3A_130 : i32 to index
        %parallel_loop3A_132 = tpu.vector_load %arg5[%parallel_loop3A_131] {strides = array<i32>} : memref<4096xi32, #tpu.memory_space<vmem>>, vector<16xi32>,
        %parallel_loop3A_133 = arith.constant 0 : i32
        %parallel_loop3A_134 = vector.broadcast %parallel_loop3A_133 : i32 to vector<16xi32>
        %parallel_loop3A_135 = tpu.vector_load_idx %arg6[%parallel_loop3A_134, %parallel_loop3A_132] : memref<8x4096xf32, #tpu.memory_space<vmem>>[vector<16xi32>, vector<16xi32>], vector<16xf32>,
        %parallel_loop3A_136 = arith.constant 16 : i32
        %parallel_loop3A_137 = arith.muli %parallel_loop3A_128, %parallel_loop3A_136 : i32
        %parallel_loop3A_138 = arith.constant 0 : i32
        %parallel_loop3A_139 = arith.index_cast %parallel_loop3A_138 : i32 to index
        %parallel_loop3A_140 = arith.index_cast %parallel_loop3A_137 : i32 to index
        %parallel_loop3A_141 = tpu.vector_load %arg8[%parallel_loop3A_139, %parallel_loop3A_140] {strides = array<i32>} : memref<4x4096xf32, #tpu.memory_space<vmem>>, vector<16xf32>,
        tpu.vector_store %arg8[%parallel_loop3A_139, %parallel_loop3A_140], %parallel_loop3A_135 {strides = array<i32>} : memref<4x4096xf32, #tpu.memory_space<vmem>>, vector<16xf32>,
        %parallel_loop3A_142 = arith.constant 1 : i32
        %parallel_loop3A_143 = vector.broadcast %parallel_loop3A_142 : i32 to vector<16xi32>
        %parallel_loop3A_144 = tpu.vector_load_idx %arg6[%parallel_loop3A_143, %parallel_loop3A_132] : memref<8x4096xf32, #tpu.memory_space<vmem>>[vector<16xi32>, vector<16xi32>], vector<16xf32>,
        %parallel_loop3A_145 = arith.constant 16 : i32
        %parallel_loop3A_146 = arith.muli %parallel_loop3A_128, %parallel_loop3A_145 : i32
        %parallel_loop3A_147 = arith.constant 1 : i32
        %parallel_loop3A_148 = arith.index_cast %parallel_loop3A_147 : i32 to index
        %parallel_loop3A_149 = arith.index_cast %parallel_loop3A_146 : i32 to index
        %parallel_loop3A_150 = tpu.vector_load %arg8[%parallel_loop3A_148, %parallel_loop3A_149] {strides = array<i32>} : memref<4x4096xf32, #tpu.memory_space<vmem>>, vector<16xf32>,
        tpu.vector_store %arg8[%parallel_loop3A_148, %parallel_loop3A_149], %parallel_loop3A_144 {strides = array<i32>} : memref<4x4096xf32, #tpu.memory_space<vmem>>, vector<16xf32>,
        %parallel_loop3A_151 = arith.constant 2 : i32
        %parallel_loop3A_152 = vector.broadcast %parallel_loop3A_151 : i32 to vector<16xi32>
        %parallel_loop3A_153 = tpu.vector_load_idx %arg6[%parallel_loop3A_152, %parallel_loop3A_132] : memref<8x4096xf32, #tpu.memory_space<vmem>>[vector<16xi32>, vector<16xi32>], vector<16xf32>,
        %parallel_loop3A_154 = arith.constant 16 : i32
        %parallel_loop3A_155 = arith.muli %parallel_loop3A_128, %parallel_loop3A_154 : i32
        %parallel_loop3A_156 = arith.constant 2 : i32
        %parallel_loop3A_157 = arith.index_cast %parallel_loop3A_156 : i32 to index
        %parallel_loop3A_158 = arith.index_cast %parallel_loop3A_155 : i32 to index
        %parallel_loop3A_159 = tpu.vector_load %arg8[%parallel_loop3A_157, %parallel_loop3A_158] {strides = array<i32>} : memref<4x4096xf32, #tpu.memory_space<vmem>>, vector<16xf32>,
        tpu.vector_store %arg8[%parallel_loop3A_157, %parallel_loop3A_158], %parallel_loop3A_153 {strides = array<i32>} : memref<4x4096xf32, #tpu.memory_space<vmem>>, vector<16xf32>,
        %parallel_loop3A_160 = arith.constant 3 : i32
        %parallel_loop3A_161 = vector.broadcast %parallel_loop3A_160 : i32 to vector<16xi32>
        %parallel_loop3A_162 = tpu.vector_load_idx %arg6[%parallel_loop3A_161, %parallel_loop3A_132] : memref<8x4096xf32, #tpu.memory_space<vmem>>[vector<16xi32>, vector<16xi32>], vector<16xf32>,
        %parallel_loop3A_163 = arith.constant 16 : i32
        %parallel_loop3A_164 = arith.muli %parallel_loop3A_128, %parallel_loop3A_163 : i32
        %parallel_loop3A_165 = arith.constant 3 : i32
        %parallel_loop3A_166 = arith.index_cast %parallel_loop3A_165 : i32 to index
        %parallel_loop3A_167 = arith.index_cast %parallel_loop3A_164 : i32 to index
        %parallel_loop3A_168 = tpu.vector_load %arg8[%parallel_loop3A_166, %parallel_loop3A_167] {strides = array<i32>} : memref<4x4096xf32, #tpu.memory_space<vmem>>, vector<16xf32>,
        tpu.vector_store %arg8[%parallel_loop3A_166, %parallel_loop3A_167], %parallel_loop3A_162 {strides = array<i32>} : memref<4x4096xf32, #tpu.memory_space<vmem>>, vector<16xf32>,
      } {sc.loop_unroll_factor = 8 : i64, sc.parallel_access}
      %mul3A_50 = arith.constant 8 : i32
      %mul3A_51 = arith.muli %add3A_32, %mul3A_50 : i32
      %add3A_52 = arith.addi %mul3A_2, %mul3A_51 : i32
      %add3A_53 = arith.constant 0 : i32
      %add3A_54 = arith.addi %add3A_52, %add3A_53 : i32
      %dma_start3A_55 = arith.constant 0 : i32
      %dma_start3A_56 = tpu.memref_slice %arg4[%add3A_54, %dma_start3A_55] : memref<8192x4096xf32, #tpu.memory_space<hbm>> -> memref<4x4096xf32, #tpu.memory_space<hbm>>
      %dma_start3A_57 = arith.constant 0 : i32
      %dma_start3A_58 = tpu.memref_slice %arg4[%add3A_54, %dma_start3A_57] : memref<8192x4096xf32, #tpu.memory_space<hbm>> -> memref<4x4096xf32, #tpu.memory_space<hbm>>
      tpu.enqueue_dma source(%arg8 : memref<4x4096xf32, #tpu.memory_space<vmem>>) target(%dma_start3A_58 : memref<4x4096xf32, #tpu.memory_space<hbm>>) target_semaphore(%arg12 : memref<!tpu.dma_semaphore, #tpu.memory_space<semaphore_mem>>)
      %ge3A_59 = arith.constant 1 : i32
      %ge3A_60 = arith.cmpi sge, %add3A_32, %ge3A_59 : i32
      %convert_element_type3A_61 = arith.extui %ge3A_60 : i1 to i32
      %cond3A_62 = arith.constant 0 : i32
      %cond3A_63 = arith.cmpi ne, %convert_element_type3A_61, %cond3A_62 : i32
      scf.if %cond3A_63 {
        %sub3A = arith.constant 1 : i32
        %sub3A_128 = arith.subi %add3A_32, %sub3A : i32
        %mul3A_129 = arith.constant 8 : i32
        %mul3A_130 = arith.muli %sub3A_128, %mul3A_129 : i32
        %add3A_131 = arith.addi %mul3A_2, %mul3A_130 : i32
        %add3A_132 = arith.constant 4 : i32
        %add3A_133 = arith.addi %add3A_131, %add3A_132 : i32
        %dma_wait3A_134 = arith.constant 0 : i32
        %dma_wait3A_135 = tpu.memref_slice %arg4[%add3A_133, %dma_wait3A_134] : memref<8192x4096xf32, #tpu.memory_space<hbm>> -> memref<4x4096xf32, #tpu.memory_space<hbm>>
        %dma_wait3A_136 = arith.constant 0 : i32
        %dma_wait3A_137 = tpu.memref_slice %arg4[%add3A_133, %dma_wait3A_136] : memref<8192x4096xf32, #tpu.memory_space<hbm>> -> memref<4x4096xf32, #tpu.memory_space<hbm>>
        tpu.wait_dma2 semaphore(%arg13 : memref<!tpu.dma_semaphore, #tpu.memory_space<semaphore_mem>>) src(%arg9 : memref<4x4096xf32, #tpu.memory_space<vmem>>) dst(%dma_wait3A_137 : memref<4x4096xf32, #tpu.memory_space<hbm>>)
      } else {
      }
      %parallel_loop3A_64 = arith.constant 0 : i32
      %parallel_loop3A_65 = arith.constant 256 : i32
      %parallel_loop3A_66 = arith.constant 1 : i32
      scf.for %parallel_loop3A_128 = %parallel_loop3A_64 to %parallel_loop3A_65 step %parallel_loop3A_66  : i32 {
        %parallel_loop3A_129 = arith.constant 16 : i32
        %parallel_loop3A_130 = arith.muli %parallel_loop3A_128, %parallel_loop3A_129 : i32
        %parallel_loop3A_131 = arith.index_cast %parallel_loop3A_130 : i32 to index
        %parallel_loop3A_132 = tpu.vector_load %arg5[%parallel_loop3A_131] {strides = array<i32>} : memref<4096xi32, #tpu.memory_space<vmem>>, vector<16xi32>,
        %parallel_loop3A_133 = arith.constant 4 : i32
        %parallel_loop3A_134 = vector.broadcast %parallel_loop3A_133 : i32 to vector<16xi32>
        %parallel_loop3A_135 = tpu.vector_load_idx %arg6[%parallel_loop3A_134, %parallel_loop3A_132] : memref<8x4096xf32, #tpu.memory_space<vmem>>[vector<16xi32>, vector<16xi32>], vector<16xf32>,
        %parallel_loop3A_136 = arith.constant 16 : i32
        %parallel_loop3A_137 = arith.muli %parallel_loop3A_128, %parallel_loop3A_136 : i32
        %parallel_loop3A_138 = arith.constant 0 : i32
        %parallel_loop3A_139 = arith.index_cast %parallel_loop3A_138 : i32 to index
        %parallel_loop3A_140 = arith.index_cast %parallel_loop3A_137 : i32 to index
        %parallel_loop3A_141 = tpu.vector_load %arg9[%parallel_loop3A_139, %parallel_loop3A_140] {strides = array<i32>} : memref<4x4096xf32, #tpu.memory_space<vmem>>, vector<16xf32>,
        tpu.vector_store %arg9[%parallel_loop3A_139, %parallel_loop3A_140], %parallel_loop3A_135 {strides = array<i32>} : memref<4x4096xf32, #tpu.memory_space<vmem>>, vector<16xf32>,
        %parallel_loop3A_142 = arith.constant 5 : i32
        %parallel_loop3A_143 = vector.broadcast %parallel_loop3A_142 : i32 to vector<16xi32>
        %parallel_loop3A_144 = tpu.vector_load_idx %arg6[%parallel_loop3A_143, %parallel_loop3A_132] : memref<8x4096xf32, #tpu.memory_space<vmem>>[vector<16xi32>, vector<16xi32>], vector<16xf32>,
        %parallel_loop3A_145 = arith.constant 16 : i32
        %parallel_loop3A_146 = arith.muli %parallel_loop3A_128, %parallel_loop3A_145 : i32
        %parallel_loop3A_147 = arith.constant 1 : i32
        %parallel_loop3A_148 = arith.index_cast %parallel_loop3A_147 : i32 to index
        %parallel_loop3A_149 = arith.index_cast %parallel_loop3A_146 : i32 to index
        %parallel_loop3A_150 = tpu.vector_load %arg9[%parallel_loop3A_148, %parallel_loop3A_149] {strides = array<i32>} : memref<4x4096xf32, #tpu.memory_space<vmem>>, vector<16xf32>,
        tpu.vector_store %arg9[%parallel_loop3A_148, %parallel_loop3A_149], %parallel_loop3A_144 {strides = array<i32>} : memref<4x4096xf32, #tpu.memory_space<vmem>>, vector<16xf32>,
        %parallel_loop3A_151 = arith.constant 6 : i32
        %parallel_loop3A_152 = vector.broadcast %parallel_loop3A_151 : i32 to vector<16xi32>
        %parallel_loop3A_153 = tpu.vector_load_idx %arg6[%parallel_loop3A_152, %parallel_loop3A_132] : memref<8x4096xf32, #tpu.memory_space<vmem>>[vector<16xi32>, vector<16xi32>], vector<16xf32>,
        %parallel_loop3A_154 = arith.constant 16 : i32
        %parallel_loop3A_155 = arith.muli %parallel_loop3A_128, %parallel_loop3A_154 : i32
        %parallel_loop3A_156 = arith.constant 2 : i32
        %parallel_loop3A_157 = arith.index_cast %parallel_loop3A_156 : i32 to index
        %parallel_loop3A_158 = arith.index_cast %parallel_loop3A_155 : i32 to index
        %parallel_loop3A_159 = tpu.vector_load %arg9[%parallel_loop3A_157, %parallel_loop3A_158] {strides = array<i32>} : memref<4x4096xf32, #tpu.memory_space<vmem>>, vector<16xf32>,
        tpu.vector_store %arg9[%parallel_loop3A_157, %parallel_loop3A_158], %parallel_loop3A_153 {strides = array<i32>} : memref<4x4096xf32, #tpu.memory_space<vmem>>, vector<16xf32>,
        %parallel_loop3A_160 = arith.constant 7 : i32
        %parallel_loop3A_161 = vector.broadcast %parallel_loop3A_160 : i32 to vector<16xi32>
        %parallel_loop3A_162 = tpu.vector_load_idx %arg6[%parallel_loop3A_161, %parallel_loop3A_132] : memref<8x4096xf32, #tpu.memory_space<vmem>>[vector<16xi32>, vector<16xi32>], vector<16xf32>,
        %parallel_loop3A_163 = arith.constant 16 : i32
        %parallel_loop3A_164 = arith.muli %parallel_loop3A_128, %parallel_loop3A_163 : i32
        %parallel_loop3A_165 = arith.constant 3 : i32
        %parallel_loop3A_166 = arith.index_cast %parallel_loop3A_165 : i32 to index
        %parallel_loop3A_167 = arith.index_cast %parallel_loop3A_164 : i32 to index
        %parallel_loop3A_168 = tpu.vector_load %arg9[%parallel_loop3A_166, %parallel_loop3A_167] {strides = array<i32>} : memref<4x4096xf32, #tpu.memory_space<vmem>>, vector<16xf32>,
        tpu.vector_store %arg9[%parallel_loop3A_166, %parallel_loop3A_167], %parallel_loop3A_162 {strides = array<i32>} : memref<4x4096xf32, #tpu.memory_space<vmem>>, vector<16xf32>,
      } {sc.loop_unroll_factor = 8 : i64, sc.parallel_access}
      %mul3A_67 = arith.constant 8 : i32
      %mul3A_68 = arith.muli %add3A_32, %mul3A_67 : i32
      %add3A_69 = arith.addi %mul3A_2, %mul3A_68 : i32
      %add3A_70 = arith.constant 4 : i32
      %add3A_71 = arith.addi %add3A_69, %add3A_70 : i32
      %dma_start3A_72 = arith.constant 0 : i32
      %dma_start3A_73 = tpu.memref_slice %arg4[%add3A_71, %dma_start3A_72] : memref<8192x4096xf32, #tpu.memory_space<hbm>> -> memref<4x4096xf32, #tpu.memory_space<hbm>>
      %dma_start3A_74 = arith.constant 0 : i32
      %dma_start3A_75 = tpu.memref_slice %arg4[%add3A_71, %dma_start3A_74] : memref<8192x4096xf32, #tpu.memory_space<hbm>> -> memref<4x4096xf32, #tpu.memory_space<hbm>>
      tpu.enqueue_dma source(%arg9 : memref<4x4096xf32, #tpu.memory_space<vmem>>) target(%dma_start3A_75 : memref<4x4096xf32, #tpu.memory_space<hbm>>) target_semaphore(%arg13 : memref<!tpu.dma_semaphore, #tpu.memory_space<semaphore_mem>>)
      %mul3A_76 = arith.constant 2 : i32
      %mul3A_77 = arith.muli %scan3A_28, %mul3A_76 : i32
      %add3A_78 = arith.constant 1 : i32
      %add3A_79 = arith.addi %mul3A_77, %add3A_78 : i32
      %add3A_80 = arith.constant 1 : i32
      %add3A_81 = arith.addi %add3A_79, %add3A_80 : i32
      %lt3A_82 = arith.constant 32 : i32
      %lt3A_83 = arith.cmpi slt, %add3A_81, %lt3A_82 : i32
      %convert_element_type3A_84 = arith.extui %lt3A_83 : i1 to i32
      %cond3A_85 = arith.constant 0 : i32
      %cond3A_86 = arith.cmpi ne, %convert_element_type3A_84, %cond3A_85 : i32
      scf.if %cond3A_86 {
        %add3A_128 = arith.constant 1 : i32
        %add3A_129 = arith.addi %add3A_79, %add3A_128 : i32
        %mul3A_130 = arith.constant 8 : i32
        %mul3A_131 = arith.muli %add3A_129, %mul3A_130 : i32
        %add3A_132 = arith.addi %mul3A_2, %mul3A_131 : i32
        %dma_start3A_133 = arith.constant 0 : i32
        %dma_start3A_134 = tpu.memref_slice %arg2[%add3A_132, %dma_start3A_133] : memref<8192x4096xf32, #tpu.memory_space<hbm>> -> memref<8x4096xf32, #tpu.memory_space<hbm>>
        %dma_start3A_135 = arith.constant 0 : i32
        %dma_start3A_136 = tpu.memref_slice %arg2[%add3A_132, %dma_start3A_135] : memref<8192x4096xf32, #tpu.memory_space<hbm>> -> memref<8x4096xf32, #tpu.memory_space<hbm>>
        tpu.enqueue_dma source(%dma_start3A_136 : memref<8x4096xf32, #tpu.memory_space<hbm>>) target(%arg6 : memref<8x4096xf32, #tpu.memory_space<vmem>>) target_semaphore(%arg10 : memref<!tpu.dma_semaphore, #tpu.memory_space<semaphore_mem>>)
      } else {
      }
      %mul3A_87 = arith.constant 8 : i32
      %mul3A_88 = arith.muli %add3A_79, %mul3A_87 : i32
      %add3A_89 = arith.addi %mul3A_2, %mul3A_88 : i32
      %dma_wait3A_90 = arith.constant 0 : i32
      %dma_wait3A_91 = tpu.memref_slice %arg2[%add3A_89, %dma_wait3A_90] : memref<8192x4096xf32, #tpu.memory_space<hbm>> -> memref<8x4096xf32, #tpu.memory_space<hbm>>
      %dma_wait3A_92 = arith.constant 0 : i32
      %dma_wait3A_93 = tpu.memref_slice %arg2[%add3A_89, %dma_wait3A_92] : memref<8192x4096xf32, #tpu.memory_space<hbm>> -> memref<8x4096xf32, #tpu.memory_space<hbm>>
      tpu.wait_dma2 semaphore(%arg11 : memref<!tpu.dma_semaphore, #tpu.memory_space<semaphore_mem>>) src(%dma_wait3A_93 : memref<8x4096xf32, #tpu.memory_space<hbm>>) dst(%arg7 : memref<8x4096xf32, #tpu.memory_space<vmem>>)
      %ge3A_94 = arith.constant 1 : i32
      %ge3A_95 = arith.cmpi sge, %add3A_79, %ge3A_94 : i32
      %convert_element_type3A_96 = arith.extui %ge3A_95 : i1 to i32
      %cond3A_97 = arith.constant 0 : i32
      %cond3A_98 = arith.cmpi ne, %convert_element_type3A_96, %cond3A_97 : i32
      scf.if %cond3A_98 {
        %sub3A = arith.constant 1 : i32
        %sub3A_128 = arith.subi %add3A_79, %sub3A : i32
        %mul3A_129 = arith.constant 8 : i32
        %mul3A_130 = arith.muli %sub3A_128, %mul3A_129 : i32
        %add3A_131 = arith.addi %mul3A_2, %mul3A_130 : i32
        %add3A_132 = arith.constant 0 : i32
        %add3A_133 = arith.addi %add3A_131, %add3A_132 : i32
        %dma_wait3A_134 = arith.constant 0 : i32
        %dma_wait3A_135 = tpu.memref_slice %arg4[%add3A_133, %dma_wait3A_134] : memref<8192x4096xf32, #tpu.memory_space<hbm>> -> memref<4x4096xf32, #tpu.memory_space<hbm>>
        %dma_wait3A_136 = arith.constant 0 : i32
        %dma_wait3A_137 = tpu.memref_slice %arg4[%add3A_133, %dma_wait3A_136] : memref<8192x4096xf32, #tpu.memory_space<hbm>> -> memref<4x4096xf32, #tpu.memory_space<hbm>>
        tpu.wait_dma2 semaphore(%arg12 : memref<!tpu.dma_semaphore, #tpu.memory_space<semaphore_mem>>) src(%arg8 : memref<4x4096xf32, #tpu.memory_space<vmem>>) dst(%dma_wait3A_137 : memref<4x4096xf32, #tpu.memory_space<hbm>>)
      } else {
      }
      %parallel_loop3A_99 = arith.constant 0 : i32
      %parallel_loop3A_100 = arith.constant 256 : i32
      %parallel_loop3A_101 = arith.constant 1 : i32
      scf.for %parallel_loop3A_128 = %parallel_loop3A_99 to %parallel_loop3A_100 step %parallel_loop3A_101  : i32 {
        %parallel_loop3A_129 = arith.constant 16 : i32
        %parallel_loop3A_130 = arith.muli %parallel_loop3A_128, %parallel_loop3A_129 : i32
        %parallel_loop3A_131 = arith.index_cast %parallel_loop3A_130 : i32 to index
        %parallel_loop3A_132 = tpu.vector_load %arg5[%parallel_loop3A_131] {strides = array<i32>} : memref<4096xi32, #tpu.memory_space<vmem>>, vector<16xi32>,
        %parallel_loop3A_133 = arith.constant 0 : i32
        %parallel_loop3A_134 = vector.broadcast %parallel_loop3A_133 : i32 to vector<16xi32>
        %parallel_loop3A_135 = tpu.vector_load_idx %arg7[%parallel_loop3A_134, %parallel_loop3A_132] : memref<8x4096xf32, #tpu.memory_space<vmem>>[vector<16xi32>, vector<16xi32>], vector<16xf32>,
        %parallel_loop3A_136 = arith.constant 16 : i32
        %parallel_loop3A_137 = arith.muli %parallel_loop3A_128, %parallel_loop3A_136 : i32
        %parallel_loop3A_138 = arith.constant 0 : i32
        %parallel_loop3A_139 = arith.index_cast %parallel_loop3A_138 : i32 to index
        %parallel_loop3A_140 = arith.index_cast %parallel_loop3A_137 : i32 to index
        %parallel_loop3A_141 = tpu.vector_load %arg8[%parallel_loop3A_139, %parallel_loop3A_140] {strides = array<i32>} : memref<4x4096xf32, #tpu.memory_space<vmem>>, vector<16xf32>,
        tpu.vector_store %arg8[%parallel_loop3A_139, %parallel_loop3A_140], %parallel_loop3A_135 {strides = array<i32>} : memref<4x4096xf32, #tpu.memory_space<vmem>>, vector<16xf32>,
        %parallel_loop3A_142 = arith.constant 1 : i32
        %parallel_loop3A_143 = vector.broadcast %parallel_loop3A_142 : i32 to vector<16xi32>
        %parallel_loop3A_144 = tpu.vector_load_idx %arg7[%parallel_loop3A_143, %parallel_loop3A_132] : memref<8x4096xf32, #tpu.memory_space<vmem>>[vector<16xi32>, vector<16xi32>], vector<16xf32>,
        %parallel_loop3A_145 = arith.constant 16 : i32
        %parallel_loop3A_146 = arith.muli %parallel_loop3A_128, %parallel_loop3A_145 : i32
        %parallel_loop3A_147 = arith.constant 1 : i32
        %parallel_loop3A_148 = arith.index_cast %parallel_loop3A_147 : i32 to index
        %parallel_loop3A_149 = arith.index_cast %parallel_loop3A_146 : i32 to index
        %parallel_loop3A_150 = tpu.vector_load %arg8[%parallel_loop3A_148, %parallel_loop3A_149] {strides = array<i32>} : memref<4x4096xf32, #tpu.memory_space<vmem>>, vector<16xf32>,
        tpu.vector_store %arg8[%parallel_loop3A_148, %parallel_loop3A_149], %parallel_loop3A_144 {strides = array<i32>} : memref<4x4096xf32, #tpu.memory_space<vmem>>, vector<16xf32>,
        %parallel_loop3A_151 = arith.constant 2 : i32
        %parallel_loop3A_152 = vector.broadcast %parallel_loop3A_151 : i32 to vector<16xi32>
        %parallel_loop3A_153 = tpu.vector_load_idx %arg7[%parallel_loop3A_152, %parallel_loop3A_132] : memref<8x4096xf32, #tpu.memory_space<vmem>>[vector<16xi32>, vector<16xi32>], vector<16xf32>,
        %parallel_loop3A_154 = arith.constant 16 : i32
        %parallel_loop3A_155 = arith.muli %parallel_loop3A_128, %parallel_loop3A_154 : i32
        %parallel_loop3A_156 = arith.constant 2 : i32
        %parallel_loop3A_157 = arith.index_cast %parallel_loop3A_156 : i32 to index
        %parallel_loop3A_158 = arith.index_cast %parallel_loop3A_155 : i32 to index
        %parallel_loop3A_159 = tpu.vector_load %arg8[%parallel_loop3A_157, %parallel_loop3A_158] {strides = array<i32>} : memref<4x4096xf32, #tpu.memory_space<vmem>>, vector<16xf32>,
        tpu.vector_store %arg8[%parallel_loop3A_157, %parallel_loop3A_158], %parallel_loop3A_153 {strides = array<i32>} : memref<4x4096xf32, #tpu.memory_space<vmem>>, vector<16xf32>,
        %parallel_loop3A_160 = arith.constant 3 : i32
        %parallel_loop3A_161 = vector.broadcast %parallel_loop3A_160 : i32 to vector<16xi32>
        %parallel_loop3A_162 = tpu.vector_load_idx %arg7[%parallel_loop3A_161, %parallel_loop3A_132] : memref<8x4096xf32, #tpu.memory_space<vmem>>[vector<16xi32>, vector<16xi32>], vector<16xf32>,
        %parallel_loop3A_163 = arith.constant 16 : i32
        %parallel_loop3A_164 = arith.muli %parallel_loop3A_128, %parallel_loop3A_163 : i32
        %parallel_loop3A_165 = arith.constant 3 : i32
        %parallel_loop3A_166 = arith.index_cast %parallel_loop3A_165 : i32 to index
        %parallel_loop3A_167 = arith.index_cast %parallel_loop3A_164 : i32 to index
        %parallel_loop3A_168 = tpu.vector_load %arg8[%parallel_loop3A_166, %parallel_loop3A_167] {strides = array<i32>} : memref<4x4096xf32, #tpu.memory_space<vmem>>, vector<16xf32>,
        tpu.vector_store %arg8[%parallel_loop3A_166, %parallel_loop3A_167], %parallel_loop3A_162 {strides = array<i32>} : memref<4x4096xf32, #tpu.memory_space<vmem>>, vector<16xf32>,
      } {sc.loop_unroll_factor = 8 : i64, sc.parallel_access}
      %mul3A_102 = arith.constant 8 : i32
      %mul3A_103 = arith.muli %add3A_79, %mul3A_102 : i32
      %add3A_104 = arith.addi %mul3A_2, %mul3A_103 : i32
      %add3A_105 = arith.constant 0 : i32
      %add3A_106 = arith.addi %add3A_104, %add3A_105 : i32
      %dma_start3A_107 = arith.constant 0 : i32
      %dma_start3A_108 = tpu.memref_slice %arg4[%add3A_106, %dma_start3A_107] : memref<8192x4096xf32, #tpu.memory_space<hbm>> -> memref<4x4096xf32, #tpu.memory_space<hbm>>
      %dma_start3A_109 = arith.constant 0 : i32
      %dma_start3A_110 = tpu.memref_slice %arg4[%add3A_106, %dma_start3A_109] : memref<8192x4096xf32, #tpu.memory_space<hbm>> -> memref<4x4096xf32, #tpu.memory_space<hbm>>
      tpu.enqueue_dma source(%arg8 : memref<4x4096xf32, #tpu.memory_space<vmem>>) target(%dma_start3A_110 : memref<4x4096xf32, #tpu.memory_space<hbm>>) target_semaphore(%arg12 : memref<!tpu.dma_semaphore, #tpu.memory_space<semaphore_mem>>)
      %ge3A_111 = arith.constant 1 : i32
      %ge3A_112 = arith.cmpi sge, %add3A_79, %ge3A_111 : i32
      %convert_element_type3A_113 = arith.extui %ge3A_112 : i1 to i32
      %cond3A_114 = arith.constant 0 : i32
      %cond3A_115 = arith.cmpi ne, %convert_element_type3A_113, %cond3A_114 : i32
      scf.if %cond3A_115 {
        %sub3A = arith.constant 1 : i32
        %sub3A_128 = arith.subi %add3A_79, %sub3A : i32
        %mul3A_129 = arith.constant 8 : i32
        %mul3A_130 = arith.muli %sub3A_128, %mul3A_129 : i32
        %add3A_131 = arith.addi %mul3A_2, %mul3A_130 : i32
        %add3A_132 = arith.constant 4 : i32
        %add3A_133 = arith.addi %add3A_131, %add3A_132 : i32
        %dma_wait3A_134 = arith.constant 0 : i32
        %dma_wait3A_135 = tpu.memref_slice %arg4[%add3A_133, %dma_wait3A_134] : memref<8192x4096xf32, #tpu.memory_space<hbm>> -> memref<4x4096xf32, #tpu.memory_space<hbm>>
        %dma_wait3A_136 = arith.constant 0 : i32
        %dma_wait3A_137 = tpu.memref_slice %arg4[%add3A_133, %dma_wait3A_136] : memref<8192x4096xf32, #tpu.memory_space<hbm>> -> memref<4x4096xf32, #tpu.memory_space<hbm>>
        tpu.wait_dma2 semaphore(%arg13 : memref<!tpu.dma_semaphore, #tpu.memory_space<semaphore_mem>>) src(%arg9 : memref<4x4096xf32, #tpu.memory_space<vmem>>) dst(%dma_wait3A_137 : memref<4x4096xf32, #tpu.memory_space<hbm>>)
      } else {
      }
      %parallel_loop3A_116 = arith.constant 0 : i32
      %parallel_loop3A_117 = arith.constant 256 : i32
      %parallel_loop3A_118 = arith.constant 1 : i32
      scf.for %parallel_loop3A_128 = %parallel_loop3A_116 to %parallel_loop3A_117 step %parallel_loop3A_118  : i32 {
        %parallel_loop3A_129 = arith.constant 16 : i32
        %parallel_loop3A_130 = arith.muli %parallel_loop3A_128, %parallel_loop3A_129 : i32
        %parallel_loop3A_131 = arith.index_cast %parallel_loop3A_130 : i32 to index
        %parallel_loop3A_132 = tpu.vector_load %arg5[%parallel_loop3A_131] {strides = array<i32>} : memref<4096xi32, #tpu.memory_space<vmem>>, vector<16xi32>,
        %parallel_loop3A_133 = arith.constant 4 : i32
        %parallel_loop3A_134 = vector.broadcast %parallel_loop3A_133 : i32 to vector<16xi32>
        %parallel_loop3A_135 = tpu.vector_load_idx %arg7[%parallel_loop3A_134, %parallel_loop3A_132] : memref<8x4096xf32, #tpu.memory_space<vmem>>[vector<16xi32>, vector<16xi32>], vector<16xf32>,
        %parallel_loop3A_136 = arith.constant 16 : i32
        %parallel_loop3A_137 = arith.muli %parallel_loop3A_128, %parallel_loop3A_136 : i32
        %parallel_loop3A_138 = arith.constant 0 : i32
        %parallel_loop3A_139 = arith.index_cast %parallel_loop3A_138 : i32 to index
        %parallel_loop3A_140 = arith.index_cast %parallel_loop3A_137 : i32 to index
        %parallel_loop3A_141 = tpu.vector_load %arg9[%parallel_loop3A_139, %parallel_loop3A_140] {strides = array<i32>} : memref<4x4096xf32, #tpu.memory_space<vmem>>, vector<16xf32>,
        tpu.vector_store %arg9[%parallel_loop3A_139, %parallel_loop3A_140], %parallel_loop3A_135 {strides = array<i32>} : memref<4x4096xf32, #tpu.memory_space<vmem>>, vector<16xf32>,
        %parallel_loop3A_142 = arith.constant 5 : i32
        %parallel_loop3A_143 = vector.broadcast %parallel_loop3A_142 : i32 to vector<16xi32>
        %parallel_loop3A_144 = tpu.vector_load_idx %arg7[%parallel_loop3A_143, %parallel_loop3A_132] : memref<8x4096xf32, #tpu.memory_space<vmem>>[vector<16xi32>, vector<16xi32>], vector<16xf32>,
        %parallel_loop3A_145 = arith.constant 16 : i32
        %parallel_loop3A_146 = arith.muli %parallel_loop3A_128, %parallel_loop3A_145 : i32
        %parallel_loop3A_147 = arith.constant 1 : i32
        %parallel_loop3A_148 = arith.index_cast %parallel_loop3A_147 : i32 to index
        %parallel_loop3A_149 = arith.index_cast %parallel_loop3A_146 : i32 to index
        %parallel_loop3A_150 = tpu.vector_load %arg9[%parallel_loop3A_148, %parallel_loop3A_149] {strides = array<i32>} : memref<4x4096xf32, #tpu.memory_space<vmem>>, vector<16xf32>,
        tpu.vector_store %arg9[%parallel_loop3A_148, %parallel_loop3A_149], %parallel_loop3A_144 {strides = array<i32>} : memref<4x4096xf32, #tpu.memory_space<vmem>>, vector<16xf32>,
        %parallel_loop3A_151 = arith.constant 6 : i32
        %parallel_loop3A_152 = vector.broadcast %parallel_loop3A_151 : i32 to vector<16xi32>
        %parallel_loop3A_153 = tpu.vector_load_idx %arg7[%parallel_loop3A_152, %parallel_loop3A_132] : memref<8x4096xf32, #tpu.memory_space<vmem>>[vector<16xi32>, vector<16xi32>], vector<16xf32>,
        %parallel_loop3A_154 = arith.constant 16 : i32
        %parallel_loop3A_155 = arith.muli %parallel_loop3A_128, %parallel_loop3A_154 : i32
        %parallel_loop3A_156 = arith.constant 2 : i32
        %parallel_loop3A_157 = arith.index_cast %parallel_loop3A_156 : i32 to index
        %parallel_loop3A_158 = arith.index_cast %parallel_loop3A_155 : i32 to index
        %parallel_loop3A_159 = tpu.vector_load %arg9[%parallel_loop3A_157, %parallel_loop3A_158] {strides = array<i32>} : memref<4x4096xf32, #tpu.memory_space<vmem>>, vector<16xf32>,
        tpu.vector_store %arg9[%parallel_loop3A_157, %parallel_loop3A_158], %parallel_loop3A_153 {strides = array<i32>} : memref<4x4096xf32, #tpu.memory_space<vmem>>, vector<16xf32>,
        %parallel_loop3A_160 = arith.constant 7 : i32
        %parallel_loop3A_161 = vector.broadcast %parallel_loop3A_160 : i32 to vector<16xi32>
        %parallel_loop3A_162 = tpu.vector_load_idx %arg7[%parallel_loop3A_161, %parallel_loop3A_132] : memref<8x4096xf32, #tpu.memory_space<vmem>>[vector<16xi32>, vector<16xi32>], vector<16xf32>,
        %parallel_loop3A_163 = arith.constant 16 : i32
        %parallel_loop3A_164 = arith.muli %parallel_loop3A_128, %parallel_loop3A_163 : i32
        %parallel_loop3A_165 = arith.constant 3 : i32
        %parallel_loop3A_166 = arith.index_cast %parallel_loop3A_165 : i32 to index
        %parallel_loop3A_167 = arith.index_cast %parallel_loop3A_164 : i32 to index
        %parallel_loop3A_168 = tpu.vector_load %arg9[%parallel_loop3A_166, %parallel_loop3A_167] {strides = array<i32>} : memref<4x4096xf32, #tpu.memory_space<vmem>>, vector<16xf32>,
        tpu.vector_store %arg9[%parallel_loop3A_166, %parallel_loop3A_167], %parallel_loop3A_162 {strides = array<i32>} : memref<4x4096xf32, #tpu.memory_space<vmem>>, vector<16xf32>,
      } {sc.loop_unroll_factor = 8 : i64, sc.parallel_access}
      %mul3A_119 = arith.constant 8 : i32
      %mul3A_120 = arith.muli %add3A_79, %mul3A_119 : i32
      %add3A_121 = arith.addi %mul3A_2, %mul3A_120 : i32
      %add3A_122 = arith.constant 4 : i32
      %add3A_123 = arith.addi %add3A_121, %add3A_122 : i32
      %dma_start3A_124 = arith.constant 0 : i32
      %dma_start3A_125 = tpu.memref_slice %arg4[%add3A_123, %dma_start3A_124] : memref<8192x4096xf32, #tpu.memory_space<hbm>> -> memref<4x4096xf32, #tpu.memory_space<hbm>>
      %dma_start3A_126 = arith.constant 0 : i32
      %dma_start3A_127 = tpu.memref_slice %arg4[%add3A_123, %dma_start3A_126] : memref<8192x4096xf32, #tpu.memory_space<hbm>> -> memref<4x4096xf32, #tpu.memory_space<hbm>>
      tpu.enqueue_dma source(%arg9 : memref<4x4096xf32, #tpu.memory_space<vmem>>) target(%dma_start3A_127 : memref<4x4096xf32, #tpu.memory_space<hbm>>) target_semaphore(%arg13 : memref<!tpu.dma_semaphore, #tpu.memory_space<semaphore_mem>>)
    }
    %scan3A_12 = arith.constant 16 : i32
    %add3A_13 = arith.constant 248 : i32
    %add3A_14 = arith.addi %mul3A_2, %add3A_13 : i32
    %add3A_15 = arith.constant 0 : i32
    %add3A_16 = arith.addi %add3A_14, %add3A_15 : i32
    %dma_wait3A = arith.constant 0 : i32
    %dma_wait3A_17 = tpu.memref_slice %arg4[%add3A_16, %dma_wait3A] : memref<8192x4096xf32, #tpu.memory_space<hbm>> -> memref<4x4096xf32, #tpu.memory_space<hbm>>
    %dma_wait3A_18 = arith.constant 0 : i32
    %dma_wait3A_19 = tpu.memref_slice %arg4[%add3A_16, %dma_wait3A_18] : memref<8192x4096xf32, #tpu.memory_space<hbm>> -> memref<4x4096xf32, #tpu.memory_space<hbm>>
    tpu.wait_dma2 semaphore(%arg12 : memref<!tpu.dma_semaphore, #tpu.memory_space<semaphore_mem>>) src(%arg8 : memref<4x4096xf32, #tpu.memory_space<vmem>>) dst(%dma_wait3A_19 : memref<4x4096xf32, #tpu.memory_space<hbm>>)
    %add3A_20 = arith.constant 248 : i32
    %add3A_21 = arith.addi %mul3A_2, %add3A_20 : i32
    %add3A_22 = arith.constant 4 : i32
    %add3A_23 = arith.addi %add3A_21, %add3A_22 : i32
    %dma_wait3A_24 = arith.constant 0 : i32
    %dma_wait3A_25 = tpu.memref_slice %arg4[%add3A_23, %dma_wait3A_24] : memref<8192x4096xf32, #tpu.memory_space<hbm>> -> memref<4x4096xf32, #tpu.memory_space<hbm>>
    %dma_wait3A_26 = arith.constant 0 : i32
    %dma_wait3A_27 = tpu.memref_slice %arg4[%add3A_23, %dma_wait3A_26] : memref<8192x4096xf32, #tpu.memory_space<hbm>> -> memref<4x4096xf32, #tpu.memory_space<hbm>>
    tpu.wait_dma2 semaphore(%arg13 : memref<!tpu.dma_semaphore, #tpu.memory_space<semaphore_mem>>) src(%arg9 : memref<4x4096xf32, #tpu.memory_space<vmem>>) dst(%dma_wait3A_27 : memref<4x4096xf32, #tpu.memory_space<hbm>>)
    return
  }
}

</mosaic_0001>

<sc_bundles>
// kernel: _permute_in.3.cloned.1.call-start
scs
__scs_entry_jumppad:
0x0: {  	(pc) =	sbr.rel $0x88, $3  }
0x1: {  	(tag) =	ssettag $0x0;
	lr =	simm.s32 $0x1  }
0x2: {  	[smem:$0x3F9F] =	sst lr;
	_ =	strace $0xD0000000  }
0x3: {  	_ = 	snop  }
0x4: {  	_ = 	snop  }
0x5: {  	_ = 	snop  }
0x6: {  	_ = 	snop  }
0x7: {  	_ = 	snop  }
__scs_overlays_trampoline_lowered:
0x8: {  	[smem:$0x3FAE] =	sst s0  }
0x9: {  	[smem:$0x3FAF] =	sst s1  }
0xa: {  	[smem:$0x3FB0] =	sst s2  }
0xb: {  	[smem:$0x3FB1] =	sst s3  }
0xc: {  	[smem:$0x3FB2] =	sst s4  }
0xd: {  	[smem:$0x3FB3] =	sst s5  }
0xe: {  	[smem:$0x3FB4] =	sst s6  }
0xf: {  	[smem:$0x3FB5] =	sst s7  }
0x10: {  	[smem:$0x3FB6] =	sst s8  }
0x11: {  	[smem:$0x3FB7] =	sst s9;
	s0 =	simm.s32 @!p0 $0x0  }
0x12: {  	s1 =	sld [smem:$0x3F9D];
	s0 =	simm.s32 @p0 $0x1  }
0x13: {  	[smem:$0x3FB8] =	sst s0;
	s0 =	simm.s32 @!p1 $0x0  }
0x14: {  	s2 =	sld [smem:$0x3F9C];
	s0 =	simm.s32 @p1 $0x1  }
0x15: {  	[smem:$0x3FB9] =	sst s0;
	s0 =	simm.s32 @!p2 $0x0  }
0x16: {  	s3 =	sld [smem:$0x3FDB];
	s0 =	simm.s32 @p2 $0x1  }
0x17: {  	s4 =	simm.s32 $0x1BF5;
	[smem:$0x3FBB] =	sst s0  }
0x18: {  	s0 =	sld [smem:$0x3F9E];
	_ =	swait.ge [sflag:s4], $0x0  }
0x19: {  	s7 =	sld [smem:$0x3F9F]  }
0x1a: {  	s8 =	sadd.s32 $0xFFFFE003, lr  }
0x1b: {  	s9 =	sadd.s32 $0xFFFFFEF7, lr;
	s5 =	simm.s32 $0xFFFFFFFF;
	p2 =	slt.u32 s8, $0xFFFFF086  }
0x1c: {  	p1 =	slt.u32 s9, $0xF7A;
	s5 =	simm.s32 @!p2 $0x0  }
0x1d: {  	s5 =	simm.s32 @p1 $0x1;
	p0 =	seq.s32 s7, s2  }
0x1e: {  	s7 =	smul.u32 @!p0 $0xF7A, s2;
	p2 =	seq.s32 @!p0 s5, $0x0  }
0x1f: {  	s9 =	smul.u32 $0xF7A, s1;
	s8 =	simm.s32 @!p0 $0x1BF5;
	p2 =	por !p2, p0  }
0x20: {  	[sflag:s8] =	ssyncset.s32 @!p0 $0xFFFFF086;
	s6 =	sadd.s32 @!p0 s3, s7;
	s7 =	simm.s32 @!p0 $0x108  }
0x21: {  	s3 =	sadd.s32 s3, s9;
	s6 =	sadd.s32 @!p0 $0x88, s6;
	s7 =	simm.s32 @p2 $0x1082  }
0x22: {  	[simem:s7], [sflag:s8] =	dma.local @!p0 [hbm:s6], $0xF7A  }
0x23: {  	s9 =	sor.u32 $0xD0000000, s2;
	s6 =	simm.s32 $0x108;
	_ =	swait.ge @!p0 [sflag:s8], $0x0  }
0x24: {  	s3 =	sadd.s32 $0x88, s3;
	s6 =	simm.s32 @!p1 $0x1082;
	[sflag:s4] =	ssyncset.s32 $0xFFFFF086  }
0x25: {  	[simem:s6], [sflag:s4] =	dma.local [hbm:s3], $0xF7A  }
0x26: {  	[smem:$0x3F9F] =	sst s1;
	(tag) =	ssettag s2;
	_ =	strace s9  }
0x27: {  	s1 =	sld [smem:$0x3FAF]  }
0x28: {  	s2 =	sld [smem:$0x3FB0]  }
0x29: {  	s4 =	sld [smem:$0x3FB2]  }
0x2a: {  	p0 =	seq.s32 s5, $0x0;
	s5 =	sld [smem:$0x3FB3]  }
0x2b: {  	s6 =	sld [smem:$0x3FB4]  }
0x2c: {  	s7 =	sld [smem:$0x3FB5]  }
0x2d: {  	s3 =	simm.s32 $0x108;
	s8 =	sld [smem:$0x3FB6]  }
0x2e: {  	s3 =	simm.s32 @!p0 $0x1082;
	s9 =	sld [smem:$0x3FB7]  }
0x2f: {  	lr =	sadd.s32 s0, s3;
	s0 =	sld [smem:$0x3FAE]  }
0x30: {  	s3 =	sld [smem:$0x3FB1]  }
0x31: {  	[smem:$0x3FBA] =	sst s10  }
0x32: {  	s10 =	sld [smem:$0x3FB8];
	_ =	sdelay $0x3  }
0x33: {  	p0 =	seq.s32 s10, $0x1;
	s10 =	sld [smem:$0x3FBA];
	_ =	sdelay $0x3  }
0x34: {  	[smem:$0x3FBA] =	sst s10  }
0x35: {  	s10 =	sld [smem:$0x3FB9];
	_ =	sdelay $0x3  }
0x36: {  	p1 =	seq.s32 s10, $0x1;
	s10 =	sld [smem:$0x3FBA];
	_ =	sdelay $0x3  }
0x37: {  	[smem:$0x3FBA] =	sst s10  }
0x38: {  	s10 =	sld [smem:$0x3FBB]  }
0x39: {  	_ = 	snop;
	(pc) =	sbr.ind lr, $3  }
0x3a: {  	_ = 	snop  }
0x3b: {  	_ = 	snop  }
0x3c: {  	p2 =	seq.s32 s10, $0x1;
	s10 =	sld [smem:$0x3FBA]  }
0x3d: {  	_ =	shalt  }
0x3e: {  	_ =	shalt  }
0x3f: {  	_ =	shalt  }
0x40: {  	_ =	shalt  }
0x41: {  	_ =	shalt  }
0x42: {  	_ =	shalt  }
0x43: {  	_ =	shalt  }
0x44: {  	_ =	shalt  }
0x45: {  	_ =	shalt  }
0x46: {  	_ =	shalt  }
0x47: {  	_ =	shalt  }
0x48: {  	_ =	shalt  }
0x49: {  	_ =	shalt  }
0x4a: {  	_ =	shalt  }
0x4b: {  	_ =	shalt  }
0x4c: {  	_ =	shalt  }
0x4d: {  	_ =	shalt  }
0x4e: {  	_ =	shalt  }
0x4f: {  	_ =	shalt  }
0x50: {  	_ =	shalt  }
0x51: {  	_ =	shalt  }
0x52: {  	_ =	shalt  }
0x53: {  	_ =	shalt  }
0x54: {  	_ =	shalt  }
0x55: {  	_ =	shalt  }
0x56: {  	_ =	shalt  }
0x57: {  	_ =	shalt  }
0x58: {  	_ =	shalt  }
0x59: {  	_ =	shalt  }
0x5a: {  	_ =	shalt  }
0x5b: {  	_ =	shalt  }
0x5c: {  	_ =	shalt  }
0x5d: {  	_ =	shalt  }
0x5e: {  	_ =	shalt  }
0x5f: {  	_ =	shalt  }
0x60: {  	_ =	shalt  }
0x61: {  	_ =	shalt  }
0x62: {  	_ =	shalt  }
0x63: {  	_ =	shalt  }
0x64: {  	_ =	shalt  }
0x65: {  	_ =	shalt  }
0x66: {  	_ =	shalt  }
0x67: {  	_ =	shalt  }
0x68: {  	_ =	shalt  }
0x69: {  	_ =	shalt  }
0x6a: {  	_ =	shalt  }
0x6b: {  	_ =	shalt  }
0x6c: {  	_ =	shalt  }
0x6d: {  	_ =	shalt  }
0x6e: {  	_ =	shalt  }
0x6f: {  	_ =	shalt  }
0x70: {  	_ =	shalt  }
0x71: {  	_ =	shalt  }
0x72: {  	_ =	shalt  }
0x73: {  	_ =	shalt  }
0x74: {  	_ =	shalt  }
0x75: {  	_ =	shalt  }
0x76: {  	_ =	shalt  }
0x77: {  	_ =	shalt  }
0x78: {  	_ =	shalt  }
0x79: {  	_ =	shalt  }
0x7a: {  	_ =	shalt  }
0x7b: {  	_ =	shalt  }
0x7c: {  	_ =	shalt  }
0x7d: {  	_ =	shalt  }
0x7e: {  	_ =	shalt  }
0x7f: {  	_ =	shalt  }
0x80: {  	_ =	shalt  }
0x81: {  	_ =	shalt  }
0x82: {  	_ =	shalt  }
0x83: {  	_ =	shalt  }
0x84: {  	_ =	shalt  }
0x85: {  	_ =	shalt  }
0x86: {  	_ =	shalt  }
0x87: {  	_ =	shalt  }
.Lfunc_end0:
.L_simem_size_0:
called_computation_lowered:
.L_overlay_start_0:
0x88: {  	s2 =	sld [smem:$0x3FD9]  }
0x89: {  	s3 =	sld [smem:$0x3FFE];
	_ =	sdelay $0x1  }
0x8a: {  	s1 =	srdreg.scid  }
0x8b: {  	s0 =	sand.u32 $0x1, s1  }
0x8c: {  	s18 =	sshll.u32 s0, $0xA;
	s2 =	sadd.s32 s3, s2  }
0x8d: {  	s2 =	sadd.s32 s2, s18  }
0x8e: {  	[smem:$0x3FC6] =	sst s2  }
0x8f: {  	_ = 	snop  }
0x90: {  	s2 =	sld [smem:$0x3FC9]  }
0x91: {  	s19 =	sld [smem:$0x3FC8]  }
0x92: {  	s4 =	sld [smem:$0x3FD0];
	(tm) =	ssettm $0x1  }
0x93: {  	s5 =	sld [smem:$0x3FFB];
	_ =	sdelay $0x3  }
0x94: {  	_ =	strace s5  }
0x95: {  	s5 =	sld [smem:$0x3FFC];
	_ =	sdelay $0x3  }
0x96: {  	_ =	strace s5  }
0x97: {  	s5 =	sld [smem:$0x3FFD];
	_ =	sdelay $0x3  }
0x98: {  	_ =	strace s5  }
0x99: {  	_ =	strace $0x8FFFFFFF  }
0x9a: {  	s20 =	sld [smem:$0x3FDB];
	_ =	sdelay $0x1  }
0x9b: {  	s6 =	simm.s32 $_scs_section_size  }
0x9c: {  	s7 =	simm.s32 $_size__tile_overlayer_lowered;
	s8 =	simm.s32 $_tile_overlayer_lowered  }
0x9d: {  	s23 =	simm.s32 $0x1BFF;
	s22 =	sshll.u32 s8, $0x1;
	s5 =	sadd.s32 s6, s20  }
0x9e: {  	s9 =	simm.s32 $0x0;
	s21 =	sshll.u32 s7, $0x1;
	s7 =	sadd.s32 s22, s5  }
0x9f: {  	[timem:s9], [sflag:s23] =	dma.local [hbm:s7], s21  }
0xa0: {  	_ =	swait.ge [sflag:s23], s21  }
0xa1: {  	s6 =	ssub.s32 $0x0, s21;
	[sflag:s23] =	ssyncset.done $0x0  }
0xa2: {  	[sflag:s23] =	ssyncadd.s32 s6;
	_ =	sdelay $0x1  }
0xa3: {  	s24 =	simm.s32 $0x1B8B  }
0xa4: {  	_ =	swait.ge [sflag:s24], $0x1  }
0xa5: {  	[sflag:s24] =	ssyncset.done $0x0  }
0xa6: {  	s25 =	simm.s32 $0x1B8E;
	[sflag:s24] =	ssyncadd.s32 $0xFFFFFFFF  }
0xa7: {  	s26 =	simm.s32 $execute0_lowered;
	[smem:$0x3FD2] =	sst s25  }
0xa8: {  	s6 =	sshll.u32 s26, $0x1;
	_ =	strace $0x80000046;
	[dreg:$0x1] =	wrdreg $0xFFFFFFFF  }
0xa9: {  	s28 =	simm.s32 $_size_execute0_lowered;
	s5 =	sadd.s32 s5, s6;
	[dreg:$0x0] =	wrdreg $0x0  }
0xaa: {  	s6 =	sshll.u32 s28, $0x1;
	[dreg:$0x2] =	wrdreg s5  }
0xab: {  	[dreg:$0x3] =	wrdreg s6  }
0xac: {  	[dreg:$0x4] =	wrdreg $0xC0  }
0xad: {  	_ =	task [dreg:s9], $0x5FFFF  }
0xae: {  	[dreg:$0x1] =	wrdreg $0xFFFFFFFF  }
0xaf: {  	[dreg:$0x0] =	wrdreg $0x60  }
0xb0: {  	[dreg:$0x2] =	wrdreg s2  }
0xb1: {  	[dreg:$0x3] =	wrdreg s19  }
0xb2: {  	[dreg:$0x4] =	wrdreg s4  }
0xb3: {  	[dreg:$0x5] =	wrdreg $0x9  }
0xb4: {  	_ =	task.clear_ibuf [dreg:s9], $0x6FFFF;
	_ =	strace $0x90000046  }
0xb5: {  	s29 =	simm.s32 $0x9;
	_ =	strace $0x80000048  }
0xb6: {  	_ =	swait.ge [sflag:s29], $0x1  }
0xb7: {  	[sflag:s29] =	ssyncadd.s32 $0xFFFFFFFF  }
0xb8: {  	_ =	strace $0x90000048  }
0xb9: {  	_ =	sfence  }
0xba: {  	s30 =	sld [smem:$0x0];
	_ =	sdelay $0x2  }
0xbb: {  	s31 =	sshll.u32 s1, $0xD;
	s1 =	sshrl.u32 s1, $0x2  }
0xbc: {  	s3 =	sand.u32 $0x4000, s31;
	s1 =	sadd.s32 s1, s30  }
0xbd: {  	s0 =	sor.u32 s3, s0;
	s1 =	sshll.u32 s1, $0x11  }
0xbe: {  	s0 =	sor.u32 s1, s0  }
0xbf: {  	s0 =	sadd.s32 $0x8F2B, s0  }
0xc0: {  	[sflag:s0] =	ssyncadd.remote.s32 $0x1  }
0xc1: {  	_ =	sfence.sel $0xFFFF  }
0xc2: {  	[dreg:$0x0] =	wrdreg $0xFFFFFFFF;
	(pc) =	sbr.abs _section_cstart, $3  }
0xc3: {  	[dreg:$0x1] =	wrdreg $0xFFFFFFFF  }
0xc4: {  	_ =	task.clear_ibuf [dreg:s9], $0x2FFFF;
	_ =	strace $0x9FFFFFFF  }
0xc5: {  	(tm) =	ssettm $0x7FFFFFFF  }
tec
execute0_lowered:
.L_overlay_start_1:
0x0: {  	(tag) =	ssettag $0x1  }
0x1: {  	s1 =	rddreg [dreg:$0x0]  }
0x2: {  	s3 =	rddreg [dreg:$0x1]  }
0x3: {  	s4 =	rddreg [dreg:$0x2]  }
0x4: {  	s0 =	srdreg.scid;
	s2 =	stileid.u32;
	s5 =	simm.s32 $0x0  }
0x5: {  	s12 =	simm.s32 $0x5;
	s13 =	simm.s32 $0x1000;
	s14 =	simm.s32 $0x9000  }
0x6: {  	s15 =	simm.s32 $0x1;
	s16 =	simm.s32 $0x200;
	s17 =	simm.s32 $0x400  }
0x7: {  	s18 =	simm.s32 $0x11000;
	s19 =	simm.s32 $0x15000;
	s20 =	simm.s32 $0x2  }
0x8: {  	s21 =	simm.s32 $0x3;
	s22 =	simm.s32 $0x4;
	s23 =	simm.s32 $0x0  }
0x9: {  	s0 =	sand.u32 $0x1, s0;
	s6 =	sshll.u32 s2, $0x9;
	[smem:$0x7FF] =	sst s5  }
0xa: {  	s9 =	sadd.s32 $0x40, s4;
	s7 =	sshll.u32 s0, $0x8;
	s0 =	ssub.s32 $0x2, s0  }
0xb: {  	_ =	strace $0x80000047;
	s8 =	sor.u32 s7, s6;
	s31 =	sshrl.u32 s0, $0x1  }
0xc: {  	s6 =	sshll.u32 s8, $0x9;
	s0 =	ssub.s32 s0, s31;
	s8 =	sshrl.u32 s8, $0x3  }
0xd: {  	s7 =	sadd.s32 s1, s6;
	s10 =	sor.u32 $0x2, s8;
	s11 =	smax.u32 s0, $0x1  }
.LBB2_1:
0xe: {  	[tilespmem:s5], [sflag:$0x5] =	stream.linear.gather [hbm4b:s3+s5], $0x1000, $0x38;
	[tilespmem:$0x19000] =	vst v63  }
0xf: {  	_ =	swait.ge [sflag:s12], $0x1000  }
0x10: {  	[sflag:s12] =	ssyncset.done $0x0  }
0x11: {  	s24 =	simm.s32 $0x0;
	[sflag:s12] =	ssyncadd.s32 $0xFFFFF000  }
0x12: {  	[tilespmem:s13], [sflag:$0x1] =	stream.linear.gather [hbm4b:s7+s5], $0x8000, $0x38;
	[tilespmem:$0x19000] =	vst v63  }
.LBB2_2:
0x13: {  	s25 =	sshllo.u32 s24, $0x1  }
0x14: {  	s0 =	sadd.s32 s8, s25  }
0x15: {  	s0 =	sshll.u32 s0, $0xC  }
0x16: {  	s0 =	sadd.s32 s1, s0  }
0x17: {  	[tilespmem:s14], [sflag:$0x2] =	stream.linear.gather [hbm4b:s0+s5], $0x8000, $0x38;
	[tilespmem:$0x19000] =	vst v63  }
0x18: {  	_ =	swait.ge [sflag:s15], $0x8000  }
0x19: {  	p0 =	seq.s32 s24, $0x0;
	[sflag:s15] =	ssyncset.done $0x0  }
0x1a: {  	s0 =	simm.s32 @!p0 $0x3;
	[sflag:s15] =	ssyncadd.s32 $0xFFFF8000  }
0x1b: {  	_ =	swait.ge @!p0 [sflag:s0], $0x4000  }
0x1c: {  	[sflag:s0] =	ssyncset.done @!p0 $0x0  }
0x1d: {  	s31 =	simm.s32 $0x40;
	[sflag:s0] =	ssyncadd.s32 @!p0 $0xFFFFC000  }
0x1e: {  	v0 =	vld [tilespmem:s31+$0xFFFFFFC0]  }
0x1f: {  	v1 =	vld [tilespmem:s31+$0x10]  }
0x20: {  	v3 =	vld [tilespmem:s31+$0xFFFFFFE0]  }
0x21: {  	v2 =	vld [tilespmem:s31+$0x0];
	_ =	sdelay $0x1  }
0x22: {  	v6 =	vld [tilespmem:s31+$0x20]  }
0x23: {  	v7 =	vld [tilespmem:s31+$0xFFFFFFF0];
	v4 =	vshll.u32 v0, $0x3;
	v0 =	vand.u32 $0x7F, v0;
	v5 =	vshll.u32 v1, $0x3  }
0x24: {  	v1 =	vand.u32 $0x7F, v1;
	v9 =	vshll.u32 v3, $0x3;
	v4 =	vand.u32 $0xFFFFFC00, v4  }
0x25: {  	v8 =	vld [tilespmem:s31+$0xFFFFFFD0];
	v3 =	vand.u32 $0x7F, v3;
	v4 =	vor.u32 v0, v4;
	v0 =	vshll.u32 v2, $0x3  }
0x26: {  	v5 =	vand.u32 $0xFFFFFC00, v5;
	v2 =	vand.u32 $0x7F, v2;
	v0 =	vand.u32 $0xFFFFFC00, v0  }
0x27: {  	v5 =	vor.u32 v1, v5;
	v0 =	vor.u32 v2, v0;
	v2 =	vand.u32 $0xFFFFFC00, v9;
	v9 =	vld [tilespmem:s31+$0x30]  }
0x28: {  	v11 =	vand.u32 $0x7F, v7;
	v2 =	vor.u32 v3, v2;
	v3 =	vshll.u32 v6, $0x3  }
0x29: {  	v1 =	vand.u32 $0x7F, v6;
	v12 =	vor.u32 $0x80, v4;
	v3 =	vand.u32 $0xFFFFFC00, v3  }
0x2a: {  	v6 =	vshll.u32 v7, $0x3;
	v10 =	vld.idx.msk [tilespmem:v4+s13+$0x0], $0xffff;
	v1 =	vor.u32 v1, v3;
	v3 =	vshll.u32 v8, $0x3  }
0x2b: {  	v6 =	vand.u32 $0xFFFFFC00, v6;
	v8 =	vand.u32 $0x7F, v8;
	v3 =	vand.u32 $0xFFFFFC00, v3  }
0x2c: {  	v6 =	vor.u32 v11, v6;
	v17 =	vld.idx.msk [tilespmem:v5+s13+$0x0], $0xffff;
	v7 =	vor.u32 v8, v3;
	v3 =	vshll.u32 v9, $0x3  }
0x2d: {  	v13 =	vld.idx.msk [tilespmem:v0+s13+$0x0], $0xffff;
	v8 =	vand.u32 $0x7F, v9;
	v3 =	vand.u32 $0xFFFFFC00, v3  }
0x2e: {  	s29 =	simm.s32 $0x11100;
	v11 =	vld.idx.msk [tilespmem:v2+s13+$0x0], $0xffff;
	v3 =	vor.u32 v8, v3  }
0x2f: {  	v20 =	vor.u32 $0x80, v0;
	[tilespmem:s29+$0xFFFFFF00] =	vst v10;
	v9 =	vld.idx.msk [tilespmem:v1+s13+$0x0], $0xffff  }
0x30: {  	v18 =	vld.idx.msk [tilespmem:v12+s13+$0x0], $0xffff;
	v12 =	vor.u32 $0x80, v5  }
0x31: {  	s26 =	sshll.u32 s24, $0x1;
	v15 =	vor.u32 $0x80, v2;
	v16 =	vld.idx.msk [tilespmem:v6+s13+$0x0], $0xffff  }
0x32: {  	s28 =	simm.s32 $0xC0;
	s30 =	simm.s32 $0x11100;
	s0 =	simm.s32 $0x0;
	v14 =	vor.u32 $0x80, v7;
	v8 =	vor.u32 $0x80, v3;
	v10 =	vor.u32 $0x80, v1;
	v19 =	vld.idx.msk [tilespmem:v7+s13+$0x0], $0xffff  }
.LBB2_3:
0x33: {  	s0 =	sadd.s32 $0x8, s0;
	[tilespmem:s29+$0xFFFFFF40] =	vst v13;
	v13 =	vld.idx.msk [tilespmem:v3+s13+$0x0], $0xffff;
	s30 =	sadd.s32 $0x200, s30  }
0x34: {  	p1 =	slt.u32 s0, $0xF8;
	v20 =	vld.idx.msk [tilespmem:v20+s13+$0x0], $0xffff;
	[tilespmem:s29+$0xFFFFFF50] =	vst v17  }
0x35: {  	v17 =	vor.u32 $0x100, v4;
	v12 =	vld.idx.msk [tilespmem:v12+s13+$0x0], $0xffff  }
0x36: {  	v21 =	vld [tilespmem:s28+$0x10];
	[tilespmem:s29+$0xFFFFFF80] =	vst v18  }
0x37: {  	v18 =	vld [tilespmem:s28+$0xFFFFFFE0];
	[tilespmem:s29+$0xFFFFFF10] =	vst v19;
	v19 =	vor.u32 $0x80, v6  }
0x38: {  	v14 =	vld.idx.msk [tilespmem:v14+s13+$0x0], $0xffff;
	[tilespmem:s29+$0xFFFFFF20] =	vst v11  }
0x39: {  	v11 =	vld.idx.msk [tilespmem:v15+s13+$0x0], $0xffff;
	[tilespmem:s29+$0xFFFFFF70] =	vst v13  }
0x3a: {  	v13 =	vld.idx.msk [tilespmem:v17+s13+$0x0], $0xffff;
	[tilespmem:s29+$0xFFFFFFC0] =	vst v20  }
0x3b: {  	v15 =	vld [tilespmem:s28+$0xFFFFFFF0];
	[tilespmem:s29+$0xFFFFFF30] =	vst v16  }
0x3c: {  	v16 =	vld.idx.msk [tilespmem:v19+s13+$0x0], $0xffff;
	[tilespmem:s29+$0xFFFFFFD0] =	vst v12  }
0x3d: {  	v12 =	vld [tilespmem:s28+$0xFFFFFFC0];
	[tilespmem:s29+$0xFFFFFF60] =	vst v9  }
0x3e: {  	[tilespmem:s29+$0xFFFFFF90] =	vst v14;
	v8 =	vld.idx.msk [tilespmem:v8+s13+$0x0], $0xffff  }
0x3f: {  	v9 =	vld [tilespmem:s28+$0x20];
	[tilespmem:s29+$0xFFFFFFA0] =	vst v11;
	v11 =	vor.u32 $0x100, v5  }
0x40: {  	v14 =	vld [tilespmem:s28+$0x30];
	[tilespmem:s29+$0x0] =	vst v13;
	v13 =	vor.u32 $0x100, v7  }
0x41: {  	v19 =	vor.u32 $0x100, v6;
	v17 =	vld [tilespmem:s28+$0xFFFFFFD0]  }
0x42: {  	v20 =	vor.u32 $0x180, v4;
	[tilespmem:s29+$0xFFFFFFB0] =	vst v16;
	v10 =	vld.idx.msk [tilespmem:v10+s13+$0x0], $0xffff  }
0x43: {  	v22 =	vor.u32 $0x100, v2;
	v23 =	vor.u32 $0x180, v5;
	v5 =	vor.u32 $0x100, v1;
	v16 =	vld [tilespmem:s28+$0x0]  }
0x44: {  	v24 =	vor.u32 $0x100, v0;
	v4 =	vshll.u32 v12, $0x3;
	v11 =	vld.idx.msk [tilespmem:v11+s13+$0x0], $0xffff;
	[tilespmem:s29+$0xFFFFFFF0] =	vst v8;
	v8 =	vor.u32 $0x100, v3  }
0x45: {  	v4 =	vand.u32 $0xFFFFFC00, v4;
	v25 =	vand.u32 $0x7F, v14;
	v14 =	vshll.u32 v14, $0x3;
	v13 =	vld.idx.msk [tilespmem:v13+s13+$0x0], $0xffff  }
0x46: {  	v6 =	vor.u32 $0x180, v6;
	v12 =	vand.u32 $0x7F, v12;
	v14 =	vand.u32 $0xFFFFFC00, v14;
	v19 =	vld.idx.msk [tilespmem:v19+s13+$0x0], $0xffff  }
0x47: {  	v7 =	vor.u32 $0x180, v7;
	v4 =	vor.u32 v12, v4;
	v12 =	vshll.u32 v21, $0x3;
	v20 =	vld.idx.msk [tilespmem:v20+s13+$0x0], $0xffff  }
0x48: {  	v26 =	vshll.u32 v15, $0x3;
	v14 =	vor.u32 v25, v14;
	v27 =	vshll.u32 v16, $0x3;
	v22 =	vld.idx.msk [tilespmem:v22+s13+$0x0], $0xffff;
	[tilespmem:s29+$0xFFFFFFE0] =	vst v10  }
0x49: {  	v21 =	vand.u32 $0x7F, v21;
	v10 =	vand.u32 $0xFFFFFC00, v26;
	v16 =	vand.u32 $0x7F, v16;
	v25 =	vld.idx.msk [tilespmem:v5+s13+$0x0], $0xffff  }
0x4a: {  	v12 =	vand.u32 $0xFFFFFC00, v12;
	v26 =	vor.u32 $0x180, v2;
	v5 =	vand.u32 $0xFFFFFC00, v27;
	[tilespmem:s29+$0x50] =	vst v11;
	v8 =	vld.idx.msk [tilespmem:v8+s13+$0x0], $0xffff  }
0x4b: {  	v2 =	vshll.u32 v18, $0x3;
	v11 =	vor.u32 v16, v5;
	v5 =	vor.u32 v21, v12;
	[tilespmem:s29+$0x10] =	vst v13;
	v12 =	vld.idx.msk [tilespmem:v24+s13+$0x0], $0xffff  }
0x4c: {  	v2 =	vand.u32 $0xFFFFFC00, v2;
	v13 =	vor.u32 $0x180, v3;
	v3 =	vmov v14;
	v7 =	vld.idx.msk [tilespmem:v7+s13+$0x0], $0xffff;
	[tilespmem:s29+$0x30] =	vst v19  }
0x4d: {  	v14 =	vand.u32 $0x7F, v18;
	v18 =	vor.u32 $0x180, v0;
	v0 =	vmovc v11;
	v19 =	vor.u32 $0x180, v1;
	[tilespmem:s29+$0x80] =	vst v20;
	v16 =	vld.idx.msk [tilespmem:v6+s13+$0x0], $0xffff  }
0x4e: {  	v21 =	vor.u32 $0x80, v4;
	v2 =	vor.u32 v14, v2;
	v1 =	vand.u32 $0x7F, v15;
	[tilespmem:s29+$0x20] =	vst v22;
	v11 =	vld.idx.msk [tilespmem:v23+s13+$0x0], $0xffff  }
0x4f: {  	v6 =	vor.u32 v1, v10;
	v1 =	vshll.u32 v9, $0x3;
	v10 =	vld.idx.msk [tilespmem:v26+s13+$0x0], $0xffff;
	[tilespmem:s29+$0x60] =	vst v25  }
0x50: {  	v9 =	vand.u32 $0x7F, v9;
	v1 =	vand.u32 $0xFFFFFC00, v1;
	v15 =	vld.idx.msk [tilespmem:v4+s13+$0x0], $0xffff;
	[tilespmem:s29+$0x70] =	vst v8  }
0x51: {  	v1 =	vor.u32 v9, v1;
	[tilespmem:s29+$0x40] =	vst v12;
	v22 =	vld.idx.msk [tilespmem:v13+s13+$0x0], $0xffff  }
0x52: {  	v8 =	vshll.u32 v17, $0x3;
	v12 =	vor.u32 $0x80, v5;
	v13 =	vld.idx.msk [tilespmem:v0+s13+$0x0], $0xffff;
	[tilespmem:s29+$0x90] =	vst v7  }
0x53: {  	v9 =	vand.u32 $0xFFFFFC00, v8;
	v8 =	vor.u32 $0x80, v3;
	v7 =	vand.u32 $0x7F, v17;
	[tilespmem:s29+$0xB0] =	vst v16;
	v16 =	vld.idx.msk [tilespmem:v18+s13+$0x0], $0xffff  }
0x54: {  	v7 =	vor.u32 v7, v9;
	[tilespmem:s29+$0xD0] =	vst v11;
	v23 =	vld.idx.msk [tilespmem:v19+s13+$0x0], $0xffff  }
0x55: {  	v14 =	vor.u32 $0x80, v7;
	v11 =	vld.idx.msk [tilespmem:v2+s13+$0x0], $0xffff  }
.Ltmp0:
0x56: {  	[tilespmem:s30+$0xFFFFFF00] =	vst v15;
	v15 =	vor.u32 $0x80, v2;
	v17 =	vld.idx.msk [tilespmem:v5+s13+$0x0], $0xffff;
	(pc) =	sbr.rel @p1 .LBB2_3-.Ltmp0, $4  }
0x57: {  	v20 =	vor.u32 $0x80, v0;
	v9 =	vld.idx.msk [tilespmem:v1+s13+$0x0], $0xffff;
	[tilespmem:s29+$0xF0] =	vst v22  }
0x58: {  	v18 =	vld.idx.msk [tilespmem:v21+s13+$0x0], $0xffff;
	[tilespmem:s29+$0xA0] =	vst v10  }
0x59: {  	v19 =	vld.idx.msk [tilespmem:v7+s13+$0x0], $0xffff;
	[tilespmem:s29+$0xC0] =	vst v16  }
0x5a: {  	s28 =	sadd.s32 $0x80, s28;
	v10 =	vor.u32 $0x80, v1;
	v16 =	vld.idx.msk [tilespmem:v6+s13+$0x0], $0xffff;
	[tilespmem:s29+$0xE0] =	vst v23;
	s29 =	smov.u32 s30  }
0x5b: {  	_ =	sdelay $0x2  }
0x5c: {  	[tilespmem:s29+$0xFFFFFF40] =	vst v13  }
0x5d: {  	v13 =	vld.idx.msk [tilespmem:v3+s13+$0x0], $0xffff;
	[tilespmem:s29+$0xFFFFFF50] =	vst v17  }
0x5e: {  	v43 =	vor.u32 $0x80, v6;
	[tilespmem:s29+$0xFFFFFF20] =	vst v11  }
0x5f: {  	v44 =	vor.u32 $0x100, v4;
	v12 =	vld.idx.msk [tilespmem:v12+s13+$0x0], $0xffff;
	[tilespmem:s29+$0xFFFFFF60] =	vst v9  }
0x60: {  	v42 =	vld.idx.msk [tilespmem:v20+s13+$0x0], $0xffff;
	[tilespmem:s29+$0xFFFFFF10] =	vst v19  }
0x61: {  	v11 =	vld.idx.msk [tilespmem:v14+s13+$0x0], $0xffff;
	[tilespmem:s29+$0xFFFFFF30] =	vst v16  }
0x62: {  	v14 =	vor.u32 $0x100, v5;
	[tilespmem:s29+$0xFFFFFF70] =	vst v13;
	v13 =	vld.idx.msk [tilespmem:v15+s13+$0x0], $0xffff  }
0x63: {  	v45 =	vor.u32 $0x100, v7;
	[tilespmem:s29+$0xFFFFFF80] =	vst v18;
	v15 =	vld.idx.msk [tilespmem:v43+s13+$0x0], $0xffff  }
0x64: {  	v46 =	vld.idx.msk [tilespmem:v44+s13+$0x0], $0xffff;
	[tilespmem:s29+$0xFFFFFFD0] =	vst v12;
	v12 =	vor.u32 $0x100, v6  }
0x65: {  	v4 =	vor.u32 $0x180, v4;
	v9 =	vld.idx.msk [tilespmem:v10+s13+$0x0], $0xffff;
	[tilespmem:s29+$0xFFFFFFC0] =	vst v42  }
0x66: {  	v10 =	vor.u32 $0x100, v2;
	v8 =	vld.idx.msk [tilespmem:v8+s13+$0x0], $0xffff;
	[tilespmem:s29+$0xFFFFFF90] =	vst v11  }
0x67: {  	v11 =	vld.idx.msk [tilespmem:v14+s13+$0x0], $0xffff;
	v14 =	vor.u32 $0x100, v1;
	[tilespmem:s29+$0xFFFFFFA0] =	vst v13  }
0x68: {  	v47 =	vor.u32 $0x100, v0;
	[tilespmem:s29+$0xFFFFFFB0] =	vst v15;
	v15 =	vld.idx.msk [tilespmem:v45+s13+$0x0], $0xffff  }
0x69: {  	v13 =	vor.u32 $0x100, v3;
	[tilespmem:s29+$0x0] =	vst v46;
	v12 =	vld.idx.msk [tilespmem:v12+s13+$0x0], $0xffff  }
0x6a: {  	v5 =	vor.u32 $0x180, v5;
	[tilespmem:s29+$0xFFFFFFE0] =	vst v9;
	v4 =	vld.idx.msk [tilespmem:v4+s13+$0x0], $0xffff  }
0x6b: {  	v7 =	vor.u32 $0x180, v7;
	[tilespmem:s29+$0xFFFFFFF0] =	vst v8;
	v8 =	vld.idx.msk [tilespmem:v10+s13+$0x0], $0xffff  }
0x6c: {  	v6 =	vor.u32 $0x180, v6;
	[tilespmem:s29+$0x50] =	vst v11;
	v10 =	vld.idx.msk [tilespmem:v14+s13+$0x0], $0xffff  }
0x6d: {  	v2 =	vor.u32 $0x180, v2;
	v11 =	vld.idx.msk [tilespmem:v47+s13+$0x0], $0xffff;
	[tilespmem:s29+$0x10] =	vst v15  }
0x6e: {  	v0 =	vor.u32 $0x180, v0;
	v9 =	vld.idx.msk [tilespmem:v13+s13+$0x0], $0xffff;
	[tilespmem:s29+$0x30] =	vst v12  }
0x6f: {  	v1 =	vor.u32 $0x180, v1;
	v5 =	vld.idx.msk [tilespmem:v5+s13+$0x0], $0xffff;
	[tilespmem:s29+$0x80] =	vst v4  }
0x70: {  	v3 =	vor.u32 $0x180, v3;
	v7 =	vld.idx.msk [tilespmem:v7+s13+$0x0], $0xffff;
	[tilespmem:s29+$0x20] =	vst v8  }
0x71: {  	v4 =	vld.idx.msk [tilespmem:v6+s13+$0x0], $0xffff;
	[tilespmem:s29+$0x60] =	vst v10  }
0x72: {  	v2 =	vld.idx.msk [tilespmem:v2+s13+$0x0], $0xffff;
	[tilespmem:s29+$0x40] =	vst v11  }
0x73: {  	[tilespmem:s29+$0x70] =	vst v9;
	v0 =	vld.idx.msk [tilespmem:v0+s13+$0x0], $0xffff  }
0x74: {  	v1 =	vld.idx.msk [tilespmem:v1+s13+$0x0], $0xffff;
	[tilespmem:s29+$0xD0] =	vst v5  }
0x75: {  	v3 =	vld.idx.msk [tilespmem:v3+s13+$0x0], $0xffff;
	[tilespmem:s29+$0x90] =	vst v7  }
0x76: {  	[tilespmem:s29+$0xB0] =	vst v4  }
0x77: {  	[tilespmem:s29+$0xA0] =	vst v2  }
0x78: {  	s0 =	sshll.u32 s24, $0xD;
	[tilespmem:s29+$0xC0] =	vst v0  }
0x79: {  	s28 =	sadd.s32 s6, s0;
	[tilespmem:s29+$0xE0] =	vst v1  }
0x7a: {  	s0 =	sadd.s32 s4, s28;
	[tilespmem:s29+$0xF0] =	vst v3  }
0x7b: {  	[hbm4b:s0+s16] =	stream.strided.scatter [tilespmem:s18], [sflag:$0x3], $0x4000, s17, s16, $0x38;
	[tilespmem:$0x19000] =	vst v63  }
0x7c: {  	s0 =	simm.s32 @!p0 $0x4  }
0x7d: {  	_ =	swait.ge @!p0 [sflag:s0], $0x4000  }
0x7e: {  	[sflag:s0] =	ssyncset.done @!p0 $0x0  }
0x7f: {  	[sflag:s0] =	ssyncadd.s32 @!p0 $0xFFFFC000;
	s0 =	simm.s32 $0x40  }
0x80: {  	v0 =	vld [tilespmem:s0+$0x30];
	_ =	sdelay $0x3  }
0x81: {  	v2 =	vld [tilespmem:s0+$0xFFFFFFC0]  }
0x82: {  	v1 =	vshll.u32 v0, $0x3  }
0x83: {  	v0 =	vand.u32 $0x7F, v0;
	v1 =	vand.u32 $0xFFFFFC00, v1  }
0x84: {  	v1 =	vor.u32 v0, v1  }
0x85: {  	v0 =	vor.u32 $0x200, v1  }
0x86: {  	v4 =	vshll.u32 v2, $0x3  }
0x87: {  	v9 =	vld [tilespmem:s0+$0xFFFFFFF0];
	v2 =	vand.u32 $0x7F, v2;
	v4 =	vand.u32 $0xFFFFFC00, v4  }
0x88: {  	v4 =	vor.u32 v2, v4;
	v2 =	vld [tilespmem:s0+$0x10]  }
0x89: {  	v5 =	vld [tilespmem:s0+$0xFFFFFFD0]  }
0x8a: {  	v0 =	vld.idx.msk [tilespmem:v0+s13+$0x0], $0xffff  }
0x8b: {  	v3 =	vor.u32 $0x280, v1;
	_ =	sdelay $0x1  }
0x8c: {  	v6 =	vld [tilespmem:s0+$0x0];
	v48 =	vand.u32 $0x7F, v9;
	v12 =	vshll.u32 v2, $0x3  }
0x8d: {  	s29 =	simm.s32 $0x15100;
	v7 =	vld [tilespmem:s0+$0x20];
	v9 =	vshll.u32 v9, $0x3;
	v2 =	vand.u32 $0x7F, v2;
	v12 =	vand.u32 $0xFFFFFC00, v12  }
0x8e: {  	v10 =	vld [tilespmem:s0+$0xFFFFFFE0];
	v49 =	vshll.u32 v5, $0x3;
	v12 =	vor.u32 v2, v12;
	[tilespmem:s29+$0xFFFFFF70] =	vst v0;
	v0 =	vor.u32 $0x200, v4  }
0x8f: {  	s31 =	simm.s32 $0xC0;
	v5 =	vand.u32 $0x7F, v5;
	v9 =	vand.u32 $0xFFFFFC00, v9;
	v15 =	vor.u32 $0x200, v12;
	v3 =	vld.idx.msk [tilespmem:v3+s13+$0x0], $0xffff  }
0x90: {  	v51 =	vld [tilespmem:s31+$0x30];
	v17 =	vand.u32 $0xFFFFFC00, v49;
	v9 =	vor.u32 v48, v9;
	v8 =	vor.u32 $0x300, v1  }
0x91: {  	v22 =	vld [tilespmem:s31+$0xFFFFFFC0];
	v17 =	vor.u32 v5, v17;
	v5 =	vor.u32 $0x200, v9  }
0x92: {  	v14 =	vor.u32 $0x380, v1;
	v1 =	vld [tilespmem:s31+$0x0]  }
0x93: {  	v11 =	vld.idx.msk [tilespmem:v0+s13+$0x0], $0xffff  }
0x94: {  	v13 =	vor.u32 $0x280, v4;
	v15 =	vld.idx.msk [tilespmem:v15+s13+$0x0], $0xffff;
	[tilespmem:s29+$0xFFFFFFF0] =	vst v3;
	v3 =	vshll.u32 v7, $0x3  }
0x95: {  	v21 =	vor.u32 $0x280, v12;
	v7 =	vand.u32 $0x7F, v7;
	v8 =	vld.idx.msk [tilespmem:v8+s13+$0x0], $0xffff;
	v3 =	vand.u32 $0xFFFFFC00, v3  }
0x96: {  	v5 =	vld.idx.msk [tilespmem:v5+s13+$0x0], $0xffff;
	v7 =	vor.u32 v7, v3  }
0x97: {  	v2 =	vld [tilespmem:s31+$0x10];
	v50 =	vor.u32 $0x200, v7  }
0x98: {  	v0 =	vld [tilespmem:s31+$0xFFFFFFD0];
	[tilespmem:s29+$0xFFFFFF00] =	vst v11;
	v11 =	vshll.u32 v6, $0x3  }
0x99: {  	v52 =	vor.u32 $0x200, v17;
	[tilespmem:s29+$0xFFFFFF50] =	vst v15;
	v6 =	vand.u32 $0x7F, v6;
	v13 =	vld.idx.msk [tilespmem:v13+s13+$0x0], $0xffff;
	v11 =	vand.u32 $0xFFFFFC00, v11  }
0x9a: {  	v21 =	vld.idx.msk [tilespmem:v21+s13+$0x0], $0xffff;
	[tilespmem:s29+$0x70] =	vst v8;
	v6 =	vor.u32 v6, v11;
	v8 =	vor.u32 $0x300, v4  }
0x9b: {  	v11 =	vld.idx.msk [tilespmem:v14+s13+$0x0], $0xffff;
	v14 =	vshll.u32 v10, $0x3;
	v53 =	vor.u32 $0x200, v6  }
0x9c: {  	v55 =	vor.u32 $0x300, v12;
	v10 =	vand.u32 $0x7F, v10;
	v18 =	vld.idx.msk [tilespmem:v50+s13+$0x0], $0xffff;
	v14 =	vand.u32 $0xFFFFFC00, v14  }
0x9d: {  	v3 =	vld [tilespmem:s31+$0x20];
	v10 =	vor.u32 v10, v14;
	v14 =	vor.u32 $0x280, v7  }
0x9e: {  	v23 =	vor.u32 $0x200, v10;
	[tilespmem:s29+$0xFFFFFF80] =	vst v13;
	v13 =	vld.idx.msk [tilespmem:v52+s13+$0x0], $0xffff  }
0x9f: {  	v54 =	vor.u32 $0x280, v9;
	[tilespmem:s29+$0xFFFFFF30] =	vst v5;
	v8 =	vld.idx.msk [tilespmem:v8+s13+$0x0], $0xffff  }
0xa0: {  	v15 =	vor.u32 $0x280, v17;
	[tilespmem:s29+$0xFFFFFFD0] =	vst v21;
	v20 =	vld.idx.msk [tilespmem:v53+s13+$0x0], $0xffff  }
0xa1: {  	v4 =	vor.u32 $0x380, v4;
	[tilespmem:s29+$0xFFFFFF60] =	vst v18;
	v18 =	vld.idx.msk [tilespmem:v55+s13+$0x0], $0xffff  }
0xa2: {  	[tilespmem:s29+$0xF0] =	vst v11;
	v11 =	vor.u32 $0x280, v6;
	v14 =	vld.idx.msk [tilespmem:v14+s13+$0x0], $0xffff  }
0xa3: {  	v56 =	vor.u32 $0x300, v7;
	v23 =	vld.idx.msk [tilespmem:v23+s13+$0x0], $0xffff;
	[tilespmem:s29+$0xFFFFFF10] =	vst v13  }
0xa4: {  	v5 =	vshll.u32 v51, $0x3;
	v24 =	vor.u32 $0x280, v10;
	v13 =	vld.idx.msk [tilespmem:v54+s13+$0x0], $0xffff;
	[tilespmem:s29+$0x0] =	vst v8  }
0xa5: {  	v57 =	vor.u32 $0x300, v9;
	v5 =	vand.u32 $0xFFFFFC00, v5;
	v8 =	vld.idx.msk [tilespmem:v15+s13+$0x0], $0xffff;
	v15 =	vand.u32 $0x7F, v51;
	[tilespmem:s29+$0xFFFFFF40] =	vst v20  }
0xa6: {  	v4 =	vld.idx.msk [tilespmem:v4+s13+$0x0], $0xffff;
	v5 =	vor.u32 v15, v5;
	v15 =	vor.u32 $0x300, v17;
	[tilespmem:s29+$0x50] =	vst v18  }
0xa7: {  	v12 =	vor.u32 $0x380, v12;
	v11 =	vld.idx.msk [tilespmem:v11+s13+$0x0], $0xffff;
	[tilespmem:s29+$0xFFFFFFE0] =	vst v14  }
0xa8: {  	v58 =	vor.u32 $0x200, v5;
	[tilespmem:s29+$0xFFFFFF20] =	vst v23;
	v19 =	vld.idx.msk [tilespmem:v56+s13+$0x0], $0xffff  }
0xa9: {  	v14 =	vor.u32 $0x300, v6;
	[tilespmem:s29+$0xFFFFFFB0] =	vst v13;
	v59 =	vld.idx.msk [tilespmem:v24+s13+$0x0], $0xffff  }
0xaa: {  	v7 =	vor.u32 $0x380, v7;
	[tilespmem:s29+$0xFFFFFF90] =	vst v8;
	v8 =	vld.idx.msk [tilespmem:v57+s13+$0x0], $0xffff  }
0xab: {  	v13 =	vor.u32 $0x300, v10;
	[tilespmem:s29+$0x80] =	vst v4;
	v4 =	vld.idx.msk [tilespmem:v15+s13+$0x0], $0xffff  }
0xac: {  	v9 =	vor.u32 $0x380, v9;
	v12 =	vld.idx.msk [tilespmem:v12+s13+$0x0], $0xffff;
	[tilespmem:s29+$0xFFFFFFC0] =	vst v11  }
0xad: {  	v15 =	vld.idx.msk [tilespmem:v58+s13+$0x0], $0xffff;
	[tilespmem:s29+$0x60] =	vst v19  }
0xae: {  	v11 =	vor.u32 $0x380, v17;
	v14 =	vld.idx.msk [tilespmem:v14+s13+$0x0], $0xffff;
	[tilespmem:s29+$0xFFFFFFA0] =	vst v59  }
0xaf: {  	v60 =	vor.u32 $0x280, v5;
	v62 =	vld.idx.msk [tilespmem:v7+s13+$0x0], $0xffff;
	[tilespmem:s29+$0x30] =	vst v8  }
0xb0: {  	v61 =	vor.u32 $0x380, v6;
	v63 =	vld.idx.msk [tilespmem:v13+s13+$0x0], $0xffff;
	[tilespmem:s29+$0x10] =	vst v4;
	v4 =	vshll.u32 v22, $0x3  }
0xb1: {  	s30 =	simm.s32 $0x15300;
	[tilespmem:s29+$0xD0] =	vst v12;
	v8 =	vld.idx.msk [tilespmem:v9+s13+$0x0], $0xffff;
	v9 =	vand.u32 $0x7F, v22;
	v4 =	vand.u32 $0xFFFFFC00, v4  }
0xb2: {  	v10 =	vor.u32 $0x380, v10;
	v12 =	vld [tilespmem:s31+$0xFFFFFFF0];
	[tilespmem:s30+$0xFFFFFF70] =	vst v15;
	v4 =	vor.u32 v9, v4  }
0xb3: {  	v6 =	vld.idx.msk [tilespmem:v11+s13+$0x0], $0xffff;
	[tilespmem:s29+$0x40] =	vst v14;
	v14 =	vor.u32 $0x200, v4  }
0xb4: {  	v11 =	vld.idx.msk [tilespmem:v60+s13+$0x0], $0xffff  }
0xb5: {  	v13 =	vor.u32 $0x300, v5;
	v7 =	vld.idx.msk [tilespmem:v61+s13+$0x0], $0xffff;
	[tilespmem:s29+$0xE0] =	vst v62  }
0xb6: {  	s0 =	simm.s32 $0x8;
	v9 =	vld [tilespmem:s31+$0xFFFFFFE0];
	[tilespmem:s29+$0x20] =	vst v63  }
.LBB2_5:
0xb7: {  	s0 =	sadd.s32 $0x8, s0;
	v15 =	vor.u32 $0x280, v4;
	v16 =	vshll.u32 v3, $0x3;
	v5 =	vor.u32 $0x380, v5;
	v10 =	vld.idx.msk [tilespmem:v10+s13+$0x0], $0xffff  }
0xb8: {  	v17 =	vshll.u32 v2, $0x3;
	v3 =	vand.u32 $0x7F, v3;
	s31 =	sadd.s32 $0x80, s31;
	p0 =	slt.u32 s0, $0xF8;
	v14 =	vld.idx.msk [tilespmem:v14+s13+$0x0], $0xffff;
	v16 =	vand.u32 $0xFFFFFC00, v16;
	[tilespmem:s29+$0xB0] =	vst v8  }
0xb9: {  	v18 =	vand.u32 $0x7F, v1;
	v2 =	vand.u32 $0x7F, v2;
	v17 =	vand.u32 $0xFFFFFC00, v17;
	v8 =	vld [tilespmem:s31+$0xFFFFFFD0];
	[tilespmem:s30+$0xFFFFFFF0] =	vst v11  }
0xba: {  	v17 =	vor.u32 v2, v17;
	v11 =	vand.u32 $0x7F, v12;
	v12 =	vshll.u32 v12, $0x3;
	v13 =	vld.idx.msk [tilespmem:v13+s13+$0x0], $0xffff;
	[tilespmem:s29+$0xC0] =	vst v7  }
0xbb: {  	v20 =	vor.u32 $0x200, v17;
	v7 =	vld [tilespmem:s31+$0x0];
	v19 =	vand.u32 $0x7F, v9;
	v12 =	vand.u32 $0xFFFFFC00, v12;
	[tilespmem:s29+$0x90] =	vst v6  }
0xbc: {  	v16 =	vor.u32 v3, v16;
	v6 =	vshll.u32 v0, $0x3;
	v9 =	vshll.u32 v9, $0x3;
	v2 =	vld [tilespmem:s31+$0x10]  }
0xbd: {  	v6 =	vand.u32 $0xFFFFFC00, v6;
	v11 =	vor.u32 v11, v12;
	v12 =	vor.u32 $0x200, v16;
	v3 =	vld [tilespmem:s31+$0x20];
	[tilespmem:s29+$0xA0] =	vst v10;
	s29 =	smov.u32 s30  }
0xbe: {  	v1 =	vshll.u32 v1, $0x3;
	v9 =	vand.u32 $0xFFFFFC00, v9;
	v10 =	vld [tilespmem:s31+$0x30];
	[tilespmem:s30+$0xFFFFFF00] =	vst v14;
	v14 =	vand.u32 $0x7F, v0;
	v0 =	vmovc v8  }
0xbf: {  	v23 =	vand.u32 $0xFFFFFC00, v1;
	v8 =	vld.idx.msk [tilespmem:v15+s13+$0x0], $0xffff;
	v6 =	vor.u32 v14, v6;
	v14 =	vor.u32 $0x200, v11  }
0xc0: {  	v18 =	vor.u32 v18, v23;
	v9 =	vor.u32 v19, v9;
	v15 =	vor.u32 $0x200, v6;
	v19 =	vld.idx.msk [tilespmem:v20+s13+$0x0], $0xffff;
	[tilespmem:s30+$0x70] =	vst v13  }
0xc1: {  	v21 =	vor.u32 $0x200, v18;
	v13 =	vor.u32 $0x300, v4;
	v20 =	vor.u32 $0x200, v9;
	v1 =	vmovc v7;
	v22 =	vld.idx.msk [tilespmem:v5+s13+$0x0], $0xffff  }
0xc2: {  	v7 =	vor.u32 $0x280, v17;
	v12 =	vld.idx.msk [tilespmem:v12+s13+$0x0], $0xffff  }
0xc3: {  	v23 =	vld [tilespmem:s31+$0xFFFFFFC0];
	v5 =	vshll.u32 v10, $0x3  }
0xc4: {  	v24 =	vor.u32 $0x280, v16;
	v10 =	vand.u32 $0x7F, v10;
	v5 =	vand.u32 $0xFFFFFC00, v5;
	v14 =	vld.idx.msk [tilespmem:v14+s13+$0x0], $0xffff  }
0xc5: {  	v5 =	vor.u32 v10, v5;
	[tilespmem:s30+$0xFFFFFF80] =	vst v8;
	v8 =	vld.idx.msk [tilespmem:v15+s13+$0x0], $0xffff  }
0xc6: {  	v10 =	vld.idx.msk [tilespmem:v13+s13+$0x0], $0xffff;
	v13 =	vor.u32 $0x280, v11;
	[tilespmem:s30+$0xFFFFFF50] =	vst v19  }
0xc7: {  	v15 =	vor.u32 $0x380, v4;
	v19 =	vor.u32 $0x280, v6;
	v21 =	vld.idx.msk [tilespmem:v21+s13+$0x0], $0xffff;
	[tilespmem:s30+$0xF0] =	vst v22  }
0xc8: {  	v25 =	vor.u32 $0x280, v18;
	v22 =	vor.u32 $0x280, v9;
	v4 =	vshll.u32 v23, $0x3;
	v7 =	vld.idx.msk [tilespmem:v7+s13+$0x0], $0xffff;
	[tilespmem:s30+$0xFFFFFF60] =	vst v12  }
0xc9: {  	v12 =	vand.u32 $0x7F, v23;
	v23 =	vor.u32 $0x300, v17;
	v4 =	vand.u32 $0xFFFFFC00, v4;
	v24 =	vld.idx.msk [tilespmem:v24+s13+$0x0], $0xffff  }
0xca: {  	v4 =	vor.u32 v12, v4;
	v12 =	vld.idx.msk [tilespmem:v20+s13+$0x0], $0xffff;
	[tilespmem:s30+$0xFFFFFF30] =	vst v14  }
0xcb: {  	[tilespmem:s30+$0xFFFFFF10] =	vst v8;
	v8 =	vld.idx.msk [tilespmem:v13+s13+$0x0], $0xffff;
	v13 =	vor.u32 $0x300, v16  }
0xcc: {  	[tilespmem:s30+$0x0] =	vst v10;
	v10 =	vld.idx.msk [tilespmem:v19+s13+$0x0], $0xffff  }
0xcd: {  	v14 =	vld.idx.msk [tilespmem:v15+s13+$0x0], $0xffff;
	v15 =	vor.u32 $0x300, v11;
	[tilespmem:s30+$0xFFFFFF40] =	vst v21  }
0xce: {  	v19 =	vor.u32 $0x300, v6;
	v20 =	vld.idx.msk [tilespmem:v25+s13+$0x0], $0xffff;
	[tilespmem:s30+$0xFFFFFFD0] =	vst v7  }
0xcf: {  	v21 =	vor.u32 $0x300, v9;
	v7 =	vor.u32 $0x200, v5;
	v25 =	vor.u32 $0x300, v18;
	v23 =	vld.idx.msk [tilespmem:v23+s13+$0x0], $0xffff;
	[tilespmem:s30+$0xFFFFFFE0] =	vst v24  }
0xd0: {  	[tilespmem:s30+$0xFFFFFF20] =	vst v12;
	v12 =	vld.idx.msk [tilespmem:v13+s13+$0x0], $0xffff  }
0xd1: {  	v13 =	vld.idx.msk [tilespmem:v22+s13+$0x0], $0xffff;
	[tilespmem:s30+$0xFFFFFFB0] =	vst v8;
	v8 =	vor.u32 $0x380, v17  }
0xd2: {  	[tilespmem:s30+$0xFFFFFF90] =	vst v10;
	v15 =	vld.idx.msk [tilespmem:v15+s13+$0x0], $0xffff;
	v10 =	vor.u32 $0x380, v16  }
0xd3: {  	[tilespmem:s30+$0x80] =	vst v14;
	v14 =	vld.idx.msk [tilespmem:v19+s13+$0x0], $0xffff  }
0xd4: {  	v11 =	vor.u32 $0x380, v11;
	v7 =	vld.idx.msk [tilespmem:v7+s13+$0x0], $0xffff;
	[tilespmem:s30+$0xFFFFFFC0] =	vst v20  }
0xd5: {  	v6 =	vor.u32 $0x380, v6;
	v16 =	vld.idx.msk [tilespmem:v25+s13+$0x0], $0xffff;
	[tilespmem:s30+$0x50] =	vst v23  }
0xd6: {  	v17 =	vor.u32 $0x280, v5;
	v19 =	vld.idx.msk [tilespmem:v8+s13+$0x0], $0xffff;
	[tilespmem:s30+$0x60] =	vst v12  }
0xd7: {  	v12 =	vor.u32 $0x380, v18;
	[tilespmem:s30+$0xFFFFFFA0] =	vst v13;
	v18 =	vld.idx.msk [tilespmem:v10+s13+$0x0], $0xffff  }
0xd8: {  	v10 =	vor.u32 $0x380, v9;
	v20 =	vld.idx.msk [tilespmem:v21+s13+$0x0], $0xffff;
	[tilespmem:s30+$0x30] =	vst v15  }
0xd9: {  	s30 =	sadd.s32 $0x200, s30;
	[tilespmem:s29+$0x10] =	vst v14;
	v8 =	vld.idx.msk [tilespmem:v11+s13+$0x0], $0xffff  }
.Ltmp1:
0xda: {  	[tilespmem:s30+$0xFFFFFF70] =	vst v7;
	v6 =	vld.idx.msk [tilespmem:v6+s13+$0x0], $0xffff;
	(pc) =	sbr.rel @p0 .LBB2_5-.Ltmp1, $4  }
0xdb: {  	v14 =	vor.u32 $0x200, v4;
	v11 =	vld.idx.msk [tilespmem:v17+s13+$0x0], $0xffff;
	[tilespmem:s29+$0x40] =	vst v16  }
0xdc: {  	v7 =	vld.idx.msk [tilespmem:v12+s13+$0x0], $0xffff;
	[tilespmem:s29+$0xD0] =	vst v19  }
0xdd: {  	v13 =	vor.u32 $0x300, v5;
	v12 =	vld [tilespmem:s31+$0xFFFFFFF0];
	[tilespmem:s29+$0xE0] =	vst v18  }
0xde: {  	v9 =	vld [tilespmem:s31+$0xFFFFFFE0];
	[tilespmem:s29+$0x20] =	vst v20  }
0xdf: {  	_ =	sdelay $0x1  }
0xe0: {  	v15 =	vor.u32 $0x280, v4  }
0xe1: {  	v16 =	vshll.u32 v3, $0x3;
	v5 =	vor.u32 $0x380, v5;
	v17 =	vshll.u32 v2, $0x3  }
0xe2: {  	v14 =	vld.idx.msk [tilespmem:v14+s13+$0x0], $0xffff;
	v3 =	vand.u32 $0x7F, v3;
	v2 =	vand.u32 $0x7F, v2;
	v17 =	vand.u32 $0xFFFFFC00, v17  }
0xe3: {  	v18 =	vshll.u32 v0, $0x3;
	v16 =	vand.u32 $0xFFFFFC00, v16;
	[tilespmem:s30+$0xFFFFFFF0] =	vst v11;
	v2 =	vor.u32 v2, v17  }
0xe4: {  	v13 =	vld.idx.msk [tilespmem:v13+s13+$0x0], $0xffff;
	v11 =	vand.u32 $0x7F, v12;
	v12 =	vshll.u32 v12, $0x3;
	v17 =	vor.u32 $0x200, v2  }
0xe5: {  	v0 =	vand.u32 $0x7F, v0;
	v3 =	vor.u32 v3, v16;
	v12 =	vand.u32 $0xFFFFFC00, v12  }
0xe6: {  	v16 =	vand.u32 $0xFFFFFC00, v18;
	v11 =	vor.u32 v11, v12;
	v12 =	vor.u32 $0x200, v3  }
0xe7: {  	v10 =	vld.idx.msk [tilespmem:v10+s13+$0x0], $0xffff;
	v0 =	vor.u32 v0, v16;
	[tilespmem:s30+$0xFFFFFF00] =	vst v14;
	v14 =	vshll.u32 v1, $0x3;
	v16 =	vor.u32 $0x200, v11  }
0xe8: {  	[tilespmem:s29+$0xB0] =	vst v8;
	v1 =	vand.u32 $0x7F, v1;
	v8 =	vld.idx.msk [tilespmem:v15+s13+$0x0], $0xffff;
	v14 =	vand.u32 $0xFFFFFC00, v14;
	v15 =	vor.u32 $0x200, v0  }
0xe9: {  	v18 =	vshll.u32 v9, $0x3;
	v1 =	vor.u32 v1, v14;
	[tilespmem:s30+$0x70] =	vst v13;
	v13 =	vor.u32 $0x300, v4;
	v14 =	vld.idx.msk [tilespmem:v17+s13+$0x0], $0xffff  }
0xea: {  	[tilespmem:s29+$0xC0] =	vst v7;
	v7 =	vand.u32 $0x7F, v9;
	v9 =	vand.u32 $0xFFFFFC00, v18;
	v17 =	vor.u32 $0x200, v1;
	v5 =	vld.idx.msk [tilespmem:v5+s13+$0x0], $0xffff  }
0xeb: {  	[tilespmem:s29+$0x90] =	vst v6;
	v6 =	vor.u32 v7, v9;
	v7 =	vor.u32 $0x280, v2;
	v9 =	vld.idx.msk [tilespmem:v12+s13+$0x0], $0xffff  }
0xec: {  	[tilespmem:s29+$0xA0] =	vst v10;
	v10 =	vor.u32 $0x200, v6;
	v12 =	vld.idx.msk [tilespmem:v16+s13+$0x0], $0xffff  }
0xed: {  	v16 =	vor.u32 $0x280, v3;
	[tilespmem:s30+$0xFFFFFF80] =	vst v8;
	v8 =	vld.idx.msk [tilespmem:v15+s13+$0x0], $0xffff  }
0xee: {  	v15 =	vor.u32 $0x280, v11;
	v13 =	vld.idx.msk [tilespmem:v13+s13+$0x0], $0xffff;
	[tilespmem:s30+$0xFFFFFF50] =	vst v14  }
0xef: {  	v14 =	vor.u32 $0x280, v0;
	v17 =	vld.idx.msk [tilespmem:v17+s13+$0x0], $0xffff;
	[tilespmem:s30+$0xF0] =	vst v5  }
0xf0: {  	v5 =	vor.u32 $0x280, v1;
	v7 =	vld.idx.msk [tilespmem:v7+s13+$0x0], $0xffff;
	[tilespmem:s30+$0xFFFFFF60] =	vst v9  }
0xf1: {  	v4 =	vor.u32 $0x380, v4;
	v9 =	vld.idx.msk [tilespmem:v10+s13+$0x0], $0xffff;
	[tilespmem:s30+$0xFFFFFF30] =	vst v12  }
0xf2: {  	v10 =	vor.u32 $0x280, v6;
	v12 =	vld.idx.msk [tilespmem:v16+s13+$0x0], $0xffff;
	[tilespmem:s30+$0xFFFFFF10] =	vst v8  }
0xf3: {  	v8 =	vor.u32 $0x300, v2;
	v15 =	vld.idx.msk [tilespmem:v15+s13+$0x0], $0xffff;
	[tilespmem:s30+$0x0] =	vst v13  }
0xf4: {  	v13 =	vor.u32 $0x300, v3;
	v14 =	vld.idx.msk [tilespmem:v14+s13+$0x0], $0xffff;
	[tilespmem:s30+$0xFFFFFF40] =	vst v17  }
0xf5: {  	v16 =	vor.u32 $0x300, v11;
	v5 =	vld.idx.msk [tilespmem:v5+s13+$0x0], $0xffff;
	[tilespmem:s30+$0xFFFFFFD0] =	vst v7  }
0xf6: {  	v4 =	vld.idx.msk [tilespmem:v4+s13+$0x0], $0xffff;
	v7 =	vor.u32 $0x300, v1;
	[tilespmem:s30+$0xFFFFFF20] =	vst v9  }
0xf7: {  	v9 =	vor.u32 $0x300, v0;
	[tilespmem:s30+$0xFFFFFFE0] =	vst v12;
	v10 =	vld.idx.msk [tilespmem:v10+s13+$0x0], $0xffff  }
0xf8: {  	v12 =	vor.u32 $0x300, v6;
	v8 =	vld.idx.msk [tilespmem:v8+s13+$0x0], $0xffff;
	[tilespmem:s30+$0xFFFFFFB0] =	vst v15  }
0xf9: {  	v2 =	vor.u32 $0x380, v2;
	v13 =	vld.idx.msk [tilespmem:v13+s13+$0x0], $0xffff;
	[tilespmem:s30+$0xFFFFFF90] =	vst v14  }
0xfa: {  	v3 =	vor.u32 $0x380, v3;
	v14 =	vld.idx.msk [tilespmem:v16+s13+$0x0], $0xffff;
	[tilespmem:s30+$0xFFFFFFC0] =	vst v5  }
0xfb: {  	[tilespmem:s30+$0x80] =	vst v4;
	v4 =	vor.u32 $0x380, v11;
	v5 =	vld.idx.msk [tilespmem:v7+s13+$0x0], $0xffff  }
0xfc: {  	v1 =	vor.u32 $0x380, v1;
	v7 =	vld.idx.msk [tilespmem:v9+s13+$0x0], $0xffff;
	[tilespmem:s30+$0xFFFFFFA0] =	vst v10  }
0xfd: {  	v0 =	vor.u32 $0x380, v0;
	[tilespmem:s30+$0x50] =	vst v8;
	v8 =	vld.idx.msk [tilespmem:v12+s13+$0x0], $0xffff  }
0xfe: {  	v6 =	vor.u32 $0x380, v6;
	v2 =	vld.idx.msk [tilespmem:v2+s13+$0x0], $0xffff;
	[tilespmem:s30+$0x60] =	vst v13  }
0xff: {  	v3 =	vld.idx.msk [tilespmem:v3+s13+$0x0], $0xffff;
	[tilespmem:s30+$0x30] =	vst v14  }
0x100: {  	v4 =	vld.idx.msk [tilespmem:v4+s13+$0x0], $0xffff;
	[tilespmem:s30+$0x40] =	vst v5  }
0x101: {  	[tilespmem:s30+$0x10] =	vst v7;
	v1 =	vld.idx.msk [tilespmem:v1+s13+$0x0], $0xffff  }
0x102: {  	v0 =	vld.idx.msk [tilespmem:v0+s13+$0x0], $0xffff;
	[tilespmem:s30+$0x20] =	vst v8  }
0x103: {  	[tilespmem:s30+$0xD0] =	vst v2;
	v2 =	vld.idx.msk [tilespmem:v6+s13+$0x0], $0xffff  }
0x104: {  	[tilespmem:s30+$0xE0] =	vst v3  }
0x105: {  	[tilespmem:s30+$0xB0] =	vst v4  }
0x106: {  	[tilespmem:s30+$0xC0] =	vst v1  }
0x107: {  	[tilespmem:s30+$0x90] =	vst v0  }
0x108: {  	s0 =	sadd.s32 s28, s9;
	p0 =	seq.s32 s24, $0xF;
	[tilespmem:s30+$0xA0] =	vst v2  }
0x109: {  	[hbm4b:s0+s16] =	stream.strided.scatter [tilespmem:s19], [sflag:$0x4], $0x4000, s17, s16, $0x38;
	[tilespmem:$0x19000] =	vst v63  }
0x10a: {  	s0 =	sadd.s32 @!p0 s26, s10  }
0x10b: {  	s0 =	sshll.u32 @!p0 s0, $0xC  }
0x10c: {  	s0 =	sand.u32 @!p0 $0x1FFFE000, s0  }
0x10d: {  	s28 =	simm.s32 @!p0 $0x1000;
	s26 =	simm.s32 @!p0 $0x0;
	s0 =	sadd.s32 @!p0 s1, s0  }
0x10e: {  	[tilespmem:s28], [sflag:$0x1] =	stream.linear.gather @!p0 [hbm4b:s0+s26], $0x8000, $0x38;
	[tilespmem:$0x19000] =	vst v63  }
0x10f: {  	_ =	swait.ge [sflag:s20], $0x8000  }
0x110: {  	[sflag:s20] =	ssyncset.done $0x0  }
0x111: {  	[sflag:s20] =	ssyncadd.s32 $0xFFFF8000  }
0x112: {  	_ =	swait.ge [sflag:s21], $0x4000  }
0x113: {  	[sflag:s21] =	ssyncset.done $0x0  }
0x114: {  	s31 =	simm.s32 $0x40;
	[sflag:s21] =	ssyncadd.s32 $0xFFFFC000  }
0x115: {  	v0 =	vld [tilespmem:s31+$0xFFFFFFC0]  }
0x116: {  	v1 =	vld [tilespmem:s31+$0x10]  }
0x117: {  	v3 =	vld [tilespmem:s31+$0xFFFFFFE0]  }
0x118: {  	v2 =	vld [tilespmem:s31+$0x0];
	_ =	sdelay $0x1  }
0x119: {  	v6 =	vld [tilespmem:s31+$0x20]  }
0x11a: {  	v7 =	vld [tilespmem:s31+$0xFFFFFFF0];
	v4 =	vshll.u32 v0, $0x3;
	v0 =	vand.u32 $0x7F, v0;
	v5 =	vshll.u32 v1, $0x3  }
0x11b: {  	v1 =	vand.u32 $0x7F, v1;
	v9 =	vshll.u32 v3, $0x3;
	v4 =	vand.u32 $0xFFFFFC00, v4  }
0x11c: {  	v8 =	vld [tilespmem:s31+$0xFFFFFFD0];
	v3 =	vand.u32 $0x7F, v3;
	v4 =	vor.u32 v0, v4;
	v0 =	vshll.u32 v2, $0x3  }
0x11d: {  	v5 =	vand.u32 $0xFFFFFC00, v5;
	v2 =	vand.u32 $0x7F, v2;
	v0 =	vand.u32 $0xFFFFFC00, v0  }
0x11e: {  	v5 =	vor.u32 v1, v5;
	v0 =	vor.u32 v2, v0;
	v2 =	vand.u32 $0xFFFFFC00, v9;
	v9 =	vld [tilespmem:s31+$0x30]  }
0x11f: {  	v11 =	vand.u32 $0x7F, v7;
	v2 =	vor.u32 v3, v2;
	v3 =	vshll.u32 v6, $0x3  }
0x120: {  	v1 =	vand.u32 $0x7F, v6;
	v12 =	vor.u32 $0x80, v4;
	v3 =	vand.u32 $0xFFFFFC00, v3  }
0x121: {  	v6 =	vshll.u32 v7, $0x3;
	v10 =	vld.idx.msk [tilespmem:v4+s14+$0x0], $0xffff;
	v1 =	vor.u32 v1, v3;
	v3 =	vshll.u32 v8, $0x3  }
0x122: {  	v6 =	vand.u32 $0xFFFFFC00, v6;
	v8 =	vand.u32 $0x7F, v8;
	v3 =	vand.u32 $0xFFFFFC00, v3  }
0x123: {  	v6 =	vor.u32 v11, v6;
	v17 =	vld.idx.msk [tilespmem:v5+s14+$0x0], $0xffff;
	v7 =	vor.u32 v8, v3;
	v3 =	vshll.u32 v9, $0x3  }
0x124: {  	v13 =	vld.idx.msk [tilespmem:v0+s14+$0x0], $0xffff;
	v8 =	vand.u32 $0x7F, v9;
	v3 =	vand.u32 $0xFFFFFC00, v3  }
0x125: {  	s26 =	simm.s32 $0x11100;
	v11 =	vld.idx.msk [tilespmem:v2+s14+$0x0], $0xffff;
	v3 =	vor.u32 v8, v3  }
0x126: {  	v20 =	vor.u32 $0x80, v0;
	[tilespmem:s26+$0xFFFFFF00] =	vst v10;
	v10 =	vld.idx.msk [tilespmem:v1+s14+$0x0], $0xffff  }
0x127: {  	v18 =	vld.idx.msk [tilespmem:v12+s14+$0x0], $0xffff;
	v12 =	vor.u32 $0x80, v5  }
0x128: {  	v15 =	vor.u32 $0x80, v2;
	v16 =	vld.idx.msk [tilespmem:v6+s14+$0x0], $0xffff  }
0x129: {  	s29 =	simm.s32 $0x11100;
	s0 =	simm.s32 $0x0;
	s28 =	simm.s32 $0xC0;
	v9 =	vor.u32 $0x80, v1;
	v14 =	vor.u32 $0x80, v7;
	v8 =	vor.u32 $0x80, v3;
	v19 =	vld.idx.msk [tilespmem:v7+s14+$0x0], $0xffff  }
.LBB2_7:
0x12a: {  	s0 =	sadd.s32 $0x8, s0;
	[tilespmem:s26+$0xFFFFFF40] =	vst v13;
	v13 =	vld.idx.msk [tilespmem:v3+s14+$0x0], $0xffff;
	s29 =	sadd.s32 $0x200, s29  }
0x12b: {  	p0 =	slt.u32 s0, $0xF8;
	v20 =	vld.idx.msk [tilespmem:v20+s14+$0x0], $0xffff;
	[tilespmem:s26+$0xFFFFFF50] =	vst v17  }
0x12c: {  	v17 =	vor.u32 $0x100, v4;
	v12 =	vld.idx.msk [tilespmem:v12+s14+$0x0], $0xffff  }
0x12d: {  	v21 =	vld [tilespmem:s28+$0x10];
	[tilespmem:s26+$0xFFFFFF80] =	vst v18  }
0x12e: {  	v18 =	vld [tilespmem:s28+$0xFFFFFFE0];
	[tilespmem:s26+$0xFFFFFF10] =	vst v19;
	v19 =	vor.u32 $0x80, v6  }
0x12f: {  	v14 =	vld.idx.msk [tilespmem:v14+s14+$0x0], $0xffff;
	[tilespmem:s26+$0xFFFFFF20] =	vst v11  }
0x130: {  	v11 =	vld.idx.msk [tilespmem:v15+s14+$0x0], $0xffff;
	[tilespmem:s26+$0xFFFFFF70] =	vst v13  }
0x131: {  	v13 =	vld.idx.msk [tilespmem:v17+s14+$0x0], $0xffff;
	[tilespmem:s26+$0xFFFFFFC0] =	vst v20  }
0x132: {  	v15 =	vld [tilespmem:s28+$0xFFFFFFF0];
	[tilespmem:s26+$0xFFFFFF30] =	vst v16  }
0x133: {  	v16 =	vld.idx.msk [tilespmem:v19+s14+$0x0], $0xffff;
	[tilespmem:s26+$0xFFFFFFD0] =	vst v12  }
0x134: {  	v12 =	vld [tilespmem:s28+$0xFFFFFFC0];
	[tilespmem:s26+$0xFFFFFF60] =	vst v10  }
0x135: {  	[tilespmem:s26+$0xFFFFFF90] =	vst v14;
	v8 =	vld.idx.msk [tilespmem:v8+s14+$0x0], $0xffff  }
0x136: {  	v10 =	vld [tilespmem:s28+$0x20];
	[tilespmem:s26+$0xFFFFFFA0] =	vst v11;
	v11 =	vor.u32 $0x100, v5  }
0x137: {  	v14 =	vld [tilespmem:s28+$0x30];
	[tilespmem:s26+$0x0] =	vst v13;
	v13 =	vor.u32 $0x100, v7  }
0x138: {  	v19 =	vor.u32 $0x100, v6;
	v17 =	vld [tilespmem:s28+$0xFFFFFFD0]  }
0x139: {  	v20 =	vor.u32 $0x180, v4;
	[tilespmem:s26+$0xFFFFFFB0] =	vst v16;
	v9 =	vld.idx.msk [tilespmem:v9+s14+$0x0], $0xffff  }
0x13a: {  	v22 =	vor.u32 $0x100, v2;
	v23 =	vor.u32 $0x180, v5;
	v5 =	vor.u32 $0x100, v1;
	v16 =	vld [tilespmem:s28+$0x0]  }
0x13b: {  	v24 =	vor.u32 $0x100, v0;
	v4 =	vshll.u32 v12, $0x3;
	v11 =	vld.idx.msk [tilespmem:v11+s14+$0x0], $0xffff;
	[tilespmem:s26+$0xFFFFFFF0] =	vst v8;
	v8 =	vor.u32 $0x100, v3  }
0x13c: {  	v4 =	vand.u32 $0xFFFFFC00, v4;
	v25 =	vand.u32 $0x7F, v14;
	v14 =	vshll.u32 v14, $0x3;
	v13 =	vld.idx.msk [tilespmem:v13+s14+$0x0], $0xffff  }
0x13d: {  	v6 =	vor.u32 $0x180, v6;
	v12 =	vand.u32 $0x7F, v12;
	v14 =	vand.u32 $0xFFFFFC00, v14;
	v19 =	vld.idx.msk [tilespmem:v19+s14+$0x0], $0xffff  }
0x13e: {  	v7 =	vor.u32 $0x180, v7;
	v4 =	vor.u32 v12, v4;
	v12 =	vshll.u32 v21, $0x3;
	v20 =	vld.idx.msk [tilespmem:v20+s14+$0x0], $0xffff  }
0x13f: {  	v26 =	vshll.u32 v15, $0x3;
	v14 =	vor.u32 v25, v14;
	v27 =	vshll.u32 v16, $0x3;
	v22 =	vld.idx.msk [tilespmem:v22+s14+$0x0], $0xffff;
	[tilespmem:s26+$0xFFFFFFE0] =	vst v9  }
0x140: {  	v21 =	vand.u32 $0x7F, v21;
	v9 =	vand.u32 $0xFFFFFC00, v26;
	v16 =	vand.u32 $0x7F, v16;
	v25 =	vld.idx.msk [tilespmem:v5+s14+$0x0], $0xffff  }
0x141: {  	v12 =	vand.u32 $0xFFFFFC00, v12;
	v26 =	vor.u32 $0x180, v2;
	v5 =	vand.u32 $0xFFFFFC00, v27;
	[tilespmem:s26+$0x50] =	vst v11;
	v8 =	vld.idx.msk [tilespmem:v8+s14+$0x0], $0xffff  }
0x142: {  	v2 =	vshll.u32 v18, $0x3;
	v11 =	vor.u32 v16, v5;
	v5 =	vor.u32 v21, v12;
	[tilespmem:s26+$0x10] =	vst v13;
	v12 =	vld.idx.msk [tilespmem:v24+s14+$0x0], $0xffff  }
0x143: {  	v2 =	vand.u32 $0xFFFFFC00, v2;
	v13 =	vor.u32 $0x180, v3;
	v3 =	vmov v14;
	v7 =	vld.idx.msk [tilespmem:v7+s14+$0x0], $0xffff;
	[tilespmem:s26+$0x30] =	vst v19  }
0x144: {  	v14 =	vand.u32 $0x7F, v18;
	v18 =	vor.u32 $0x180, v0;
	v0 =	vmovc v11;
	v19 =	vor.u32 $0x180, v1;
	[tilespmem:s26+$0x80] =	vst v20;
	v16 =	vld.idx.msk [tilespmem:v6+s14+$0x0], $0xffff  }
0x145: {  	v21 =	vor.u32 $0x80, v4;
	v2 =	vor.u32 v14, v2;
	v1 =	vand.u32 $0x7F, v15;
	[tilespmem:s26+$0x20] =	vst v22;
	v11 =	vld.idx.msk [tilespmem:v23+s14+$0x0], $0xffff  }
0x146: {  	v6 =	vor.u32 v1, v9;
	v1 =	vshll.u32 v10, $0x3;
	v9 =	vld.idx.msk [tilespmem:v26+s14+$0x0], $0xffff;
	[tilespmem:s26+$0x60] =	vst v25  }
0x147: {  	v10 =	vand.u32 $0x7F, v10;
	v1 =	vand.u32 $0xFFFFFC00, v1;
	v15 =	vld.idx.msk [tilespmem:v4+s14+$0x0], $0xffff;
	[tilespmem:s26+$0x70] =	vst v8  }
0x148: {  	v1 =	vor.u32 v10, v1;
	[tilespmem:s26+$0x40] =	vst v12;
	v22 =	vld.idx.msk [tilespmem:v13+s14+$0x0], $0xffff  }
0x149: {  	v8 =	vshll.u32 v17, $0x3;
	v12 =	vor.u32 $0x80, v5;
	v13 =	vld.idx.msk [tilespmem:v0+s14+$0x0], $0xffff;
	[tilespmem:s26+$0x90] =	vst v7  }
0x14a: {  	v10 =	vand.u32 $0xFFFFFC00, v8;
	v8 =	vor.u32 $0x80, v3;
	v7 =	vand.u32 $0x7F, v17;
	[tilespmem:s26+$0xB0] =	vst v16;
	v16 =	vld.idx.msk [tilespmem:v18+s14+$0x0], $0xffff  }
0x14b: {  	v7 =	vor.u32 v7, v10;
	[tilespmem:s26+$0xD0] =	vst v11;
	v23 =	vld.idx.msk [tilespmem:v19+s14+$0x0], $0xffff  }
0x14c: {  	v14 =	vor.u32 $0x80, v7;
	v11 =	vld.idx.msk [tilespmem:v2+s14+$0x0], $0xffff  }
.Ltmp2:
0x14d: {  	[tilespmem:s29+$0xFFFFFF00] =	vst v15;
	v15 =	vor.u32 $0x80, v2;
	v17 =	vld.idx.msk [tilespmem:v5+s14+$0x0], $0xffff;
	(pc) =	sbr.rel @p0 .LBB2_7-.Ltmp2, $4  }
0x14e: {  	v20 =	vor.u32 $0x80, v0;
	v10 =	vld.idx.msk [tilespmem:v1+s14+$0x0], $0xffff;
	[tilespmem:s26+$0xF0] =	vst v22  }
0x14f: {  	v18 =	vld.idx.msk [tilespmem:v21+s14+$0x0], $0xffff;
	[tilespmem:s26+$0xA0] =	vst v9  }
0x150: {  	v19 =	vld.idx.msk [tilespmem:v7+s14+$0x0], $0xffff;
	[tilespmem:s26+$0xC0] =	vst v16  }
0x151: {  	s28 =	sadd.s32 $0x80, s28;
	v9 =	vor.u32 $0x80, v1;
	v16 =	vld.idx.msk [tilespmem:v6+s14+$0x0], $0xffff;
	[tilespmem:s26+$0xE0] =	vst v23;
	s26 =	smov.u32 s29  }
0x152: {  	_ =	sdelay $0x2  }
0x153: {  	[tilespmem:s26+$0xFFFFFF40] =	vst v13  }
0x154: {  	v13 =	vld.idx.msk [tilespmem:v3+s14+$0x0], $0xffff;
	[tilespmem:s26+$0xFFFFFF50] =	vst v17  }
0x155: {  	v43 =	vor.u32 $0x80, v6;
	[tilespmem:s26+$0xFFFFFF20] =	vst v11  }
0x156: {  	v44 =	vor.u32 $0x100, v4;
	v12 =	vld.idx.msk [tilespmem:v12+s14+$0x0], $0xffff;
	[tilespmem:s26+$0xFFFFFF60] =	vst v10  }
0x157: {  	v42 =	vld.idx.msk [tilespmem:v20+s14+$0x0], $0xffff;
	[tilespmem:s26+$0xFFFFFF10] =	vst v19  }
0x158: {  	v11 =	vld.idx.msk [tilespmem:v14+s14+$0x0], $0xffff;
	[tilespmem:s26+$0xFFFFFF30] =	vst v16  }
0x159: {  	v14 =	vor.u32 $0x100, v5;
	[tilespmem:s26+$0xFFFFFF70] =	vst v13;
	v13 =	vld.idx.msk [tilespmem:v15+s14+$0x0], $0xffff  }
0x15a: {  	v45 =	vor.u32 $0x100, v7;
	[tilespmem:s26+$0xFFFFFF80] =	vst v18;
	v15 =	vld.idx.msk [tilespmem:v43+s14+$0x0], $0xffff  }
0x15b: {  	v46 =	vld.idx.msk [tilespmem:v44+s14+$0x0], $0xffff;
	[tilespmem:s26+$0xFFFFFFD0] =	vst v12;
	v12 =	vor.u32 $0x100, v6  }
0x15c: {  	v4 =	vor.u32 $0x180, v4;
	v9 =	vld.idx.msk [tilespmem:v9+s14+$0x0], $0xffff;
	[tilespmem:s26+$0xFFFFFFC0] =	vst v42  }
0x15d: {  	v10 =	vor.u32 $0x100, v2;
	v8 =	vld.idx.msk [tilespmem:v8+s14+$0x0], $0xffff;
	[tilespmem:s26+$0xFFFFFF90] =	vst v11  }
0x15e: {  	v11 =	vld.idx.msk [tilespmem:v14+s14+$0x0], $0xffff;
	v14 =	vor.u32 $0x100, v1;
	[tilespmem:s26+$0xFFFFFFA0] =	vst v13  }
0x15f: {  	v47 =	vor.u32 $0x100, v0;
	[tilespmem:s26+$0xFFFFFFB0] =	vst v15;
	v15 =	vld.idx.msk [tilespmem:v45+s14+$0x0], $0xffff  }
0x160: {  	v13 =	vor.u32 $0x100, v3;
	[tilespmem:s26+$0x0] =	vst v46;
	v12 =	vld.idx.msk [tilespmem:v12+s14+$0x0], $0xffff  }
0x161: {  	v5 =	vor.u32 $0x180, v5;
	[tilespmem:s26+$0xFFFFFFE0] =	vst v9;
	v4 =	vld.idx.msk [tilespmem:v4+s14+$0x0], $0xffff  }
0x162: {  	v7 =	vor.u32 $0x180, v7;
	[tilespmem:s26+$0xFFFFFFF0] =	vst v8;
	v8 =	vld.idx.msk [tilespmem:v10+s14+$0x0], $0xffff  }
0x163: {  	v6 =	vor.u32 $0x180, v6;
	[tilespmem:s26+$0x50] =	vst v11;
	v10 =	vld.idx.msk [tilespmem:v14+s14+$0x0], $0xffff  }
0x164: {  	v2 =	vor.u32 $0x180, v2;
	v11 =	vld.idx.msk [tilespmem:v47+s14+$0x0], $0xffff;
	[tilespmem:s26+$0x10] =	vst v15  }
0x165: {  	v0 =	vor.u32 $0x180, v0;
	v9 =	vld.idx.msk [tilespmem:v13+s14+$0x0], $0xffff;
	[tilespmem:s26+$0x30] =	vst v12  }
0x166: {  	v1 =	vor.u32 $0x180, v1;
	v5 =	vld.idx.msk [tilespmem:v5+s14+$0x0], $0xffff;
	[tilespmem:s26+$0x80] =	vst v4  }
0x167: {  	v3 =	vor.u32 $0x180, v3;
	v7 =	vld.idx.msk [tilespmem:v7+s14+$0x0], $0xffff;
	[tilespmem:s26+$0x20] =	vst v8  }
0x168: {  	v4 =	vld.idx.msk [tilespmem:v6+s14+$0x0], $0xffff;
	[tilespmem:s26+$0x60] =	vst v10  }
0x169: {  	v2 =	vld.idx.msk [tilespmem:v2+s14+$0x0], $0xffff;
	[tilespmem:s26+$0x40] =	vst v11  }
0x16a: {  	[tilespmem:s26+$0x70] =	vst v9;
	v0 =	vld.idx.msk [tilespmem:v0+s14+$0x0], $0xffff  }
0x16b: {  	v1 =	vld.idx.msk [tilespmem:v1+s14+$0x0], $0xffff;
	[tilespmem:s26+$0xD0] =	vst v5  }
0x16c: {  	v3 =	vld.idx.msk [tilespmem:v3+s14+$0x0], $0xffff;
	[tilespmem:s26+$0x90] =	vst v7  }
0x16d: {  	[tilespmem:s26+$0xB0] =	vst v4  }
0x16e: {  	[tilespmem:s26+$0xA0] =	vst v2  }
0x16f: {  	s0 =	sshll.u32 s25, $0xC;
	[tilespmem:s26+$0xC0] =	vst v0  }
0x170: {  	s25 =	sadd.s32 s6, s0;
	[tilespmem:s26+$0xE0] =	vst v1  }
0x171: {  	s0 =	sadd.s32 s4, s25;
	[tilespmem:s26+$0xF0] =	vst v3  }
0x172: {  	[hbm4b:s0+s16] =	stream.strided.scatter [tilespmem:s18], [sflag:$0x3], $0x4000, s17, s16, $0x38;
	[tilespmem:$0x19000] =	vst v63  }
0x173: {  	_ =	swait.ge [sflag:s22], $0x4000  }
0x174: {  	[sflag:s22] =	ssyncset.done $0x0  }
0x175: {  	s31 =	simm.s32 $0x40;
	[sflag:s22] =	ssyncadd.s32 $0xFFFFC000  }
0x176: {  	v0 =	vld [tilespmem:s31+$0x30];
	_ =	sdelay $0x3  }
0x177: {  	v2 =	vld [tilespmem:s31+$0xFFFFFFC0]  }
0x178: {  	v1 =	vshll.u32 v0, $0x3  }
0x179: {  	v0 =	vand.u32 $0x7F, v0;
	v1 =	vand.u32 $0xFFFFFC00, v1  }
0x17a: {  	v1 =	vor.u32 v0, v1  }
0x17b: {  	v0 =	vor.u32 $0x200, v1  }
0x17c: {  	v4 =	vshll.u32 v2, $0x3  }
0x17d: {  	v9 =	vld [tilespmem:s31+$0xFFFFFFF0];
	v2 =	vand.u32 $0x7F, v2;
	v4 =	vand.u32 $0xFFFFFC00, v4  }
0x17e: {  	v4 =	vor.u32 v2, v4;
	v2 =	vld [tilespmem:s31+$0x10]  }
0x17f: {  	v5 =	vld [tilespmem:s31+$0xFFFFFFD0]  }
0x180: {  	v0 =	vld.idx.msk [tilespmem:v0+s14+$0x0], $0xffff  }
0x181: {  	v3 =	vor.u32 $0x280, v1;
	_ =	sdelay $0x1  }
0x182: {  	v6 =	vld [tilespmem:s31+$0x0];
	v48 =	vand.u32 $0x7F, v9;
	v12 =	vshll.u32 v2, $0x3  }
0x183: {  	s26 =	simm.s32 $0x15100;
	v7 =	vld [tilespmem:s31+$0x20];
	v9 =	vshll.u32 v9, $0x3;
	v2 =	vand.u32 $0x7F, v2;
	v12 =	vand.u32 $0xFFFFFC00, v12  }
0x184: {  	v10 =	vld [tilespmem:s31+$0xFFFFFFE0];
	v49 =	vshll.u32 v5, $0x3;
	v12 =	vor.u32 v2, v12;
	[tilespmem:s26+$0xFFFFFF70] =	vst v0;
	v0 =	vor.u32 $0x200, v4  }
0x185: {  	s29 =	simm.s32 $0xC0;
	v5 =	vand.u32 $0x7F, v5;
	v9 =	vand.u32 $0xFFFFFC00, v9;
	v15 =	vor.u32 $0x200, v12;
	v3 =	vld.idx.msk [tilespmem:v3+s14+$0x0], $0xffff  }
0x186: {  	v51 =	vld [tilespmem:s29+$0x30];
	v17 =	vand.u32 $0xFFFFFC00, v49;
	v9 =	vor.u32 v48, v9;
	v8 =	vor.u32 $0x300, v1  }
0x187: {  	v22 =	vld [tilespmem:s29+$0xFFFFFFC0];
	v17 =	vor.u32 v5, v17;
	v5 =	vor.u32 $0x200, v9  }
0x188: {  	v14 =	vor.u32 $0x380, v1;
	v1 =	vld [tilespmem:s29+$0x0]  }
0x189: {  	v11 =	vld.idx.msk [tilespmem:v0+s14+$0x0], $0xffff  }
0x18a: {  	v13 =	vor.u32 $0x280, v4;
	v15 =	vld.idx.msk [tilespmem:v15+s14+$0x0], $0xffff;
	[tilespmem:s26+$0xFFFFFFF0] =	vst v3;
	v3 =	vshll.u32 v7, $0x3  }
0x18b: {  	v21 =	vor.u32 $0x280, v12;
	v7 =	vand.u32 $0x7F, v7;
	v8 =	vld.idx.msk [tilespmem:v8+s14+$0x0], $0xffff;
	v3 =	vand.u32 $0xFFFFFC00, v3  }
0x18c: {  	v5 =	vld.idx.msk [tilespmem:v5+s14+$0x0], $0xffff;
	v7 =	vor.u32 v7, v3  }
0x18d: {  	v2 =	vld [tilespmem:s29+$0x10];
	v50 =	vor.u32 $0x200, v7  }
0x18e: {  	v0 =	vld [tilespmem:s29+$0xFFFFFFD0];
	[tilespmem:s26+$0xFFFFFF00] =	vst v11;
	v11 =	vshll.u32 v6, $0x3  }
0x18f: {  	v52 =	vor.u32 $0x200, v17;
	[tilespmem:s26+$0xFFFFFF50] =	vst v15;
	v6 =	vand.u32 $0x7F, v6;
	v13 =	vld.idx.msk [tilespmem:v13+s14+$0x0], $0xffff;
	v11 =	vand.u32 $0xFFFFFC00, v11  }
0x190: {  	v21 =	vld.idx.msk [tilespmem:v21+s14+$0x0], $0xffff;
	[tilespmem:s26+$0x70] =	vst v8;
	v6 =	vor.u32 v6, v11;
	v8 =	vor.u32 $0x300, v4  }
0x191: {  	v11 =	vld.idx.msk [tilespmem:v14+s14+$0x0], $0xffff;
	v14 =	vshll.u32 v10, $0x3;
	v53 =	vor.u32 $0x200, v6  }
0x192: {  	v55 =	vor.u32 $0x300, v12;
	v10 =	vand.u32 $0x7F, v10;
	v18 =	vld.idx.msk [tilespmem:v50+s14+$0x0], $0xffff;
	v14 =	vand.u32 $0xFFFFFC00, v14  }
0x193: {  	v3 =	vld [tilespmem:s29+$0x20];
	v10 =	vor.u32 v10, v14;
	v14 =	vor.u32 $0x280, v7  }
0x194: {  	v23 =	vor.u32 $0x200, v10;
	[tilespmem:s26+$0xFFFFFF80] =	vst v13;
	v13 =	vld.idx.msk [tilespmem:v52+s14+$0x0], $0xffff  }
0x195: {  	v54 =	vor.u32 $0x280, v9;
	[tilespmem:s26+$0xFFFFFF30] =	vst v5;
	v8 =	vld.idx.msk [tilespmem:v8+s14+$0x0], $0xffff  }
0x196: {  	v15 =	vor.u32 $0x280, v17;
	[tilespmem:s26+$0xFFFFFFD0] =	vst v21;
	v20 =	vld.idx.msk [tilespmem:v53+s14+$0x0], $0xffff  }
0x197: {  	v4 =	vor.u32 $0x380, v4;
	[tilespmem:s26+$0xFFFFFF60] =	vst v18;
	v18 =	vld.idx.msk [tilespmem:v55+s14+$0x0], $0xffff  }
0x198: {  	[tilespmem:s26+$0xF0] =	vst v11;
	v11 =	vor.u32 $0x280, v6;
	v14 =	vld.idx.msk [tilespmem:v14+s14+$0x0], $0xffff  }
0x199: {  	v56 =	vor.u32 $0x300, v7;
	v23 =	vld.idx.msk [tilespmem:v23+s14+$0x0], $0xffff;
	[tilespmem:s26+$0xFFFFFF10] =	vst v13  }
0x19a: {  	v5 =	vshll.u32 v51, $0x3;
	v24 =	vor.u32 $0x280, v10;
	v13 =	vld.idx.msk [tilespmem:v54+s14+$0x0], $0xffff;
	[tilespmem:s26+$0x0] =	vst v8  }
0x19b: {  	v57 =	vor.u32 $0x300, v9;
	v5 =	vand.u32 $0xFFFFFC00, v5;
	v8 =	vld.idx.msk [tilespmem:v15+s14+$0x0], $0xffff;
	v15 =	vand.u32 $0x7F, v51;
	[tilespmem:s26+$0xFFFFFF40] =	vst v20  }
0x19c: {  	v4 =	vld.idx.msk [tilespmem:v4+s14+$0x0], $0xffff;
	v5 =	vor.u32 v15, v5;
	v15 =	vor.u32 $0x300, v17;
	[tilespmem:s26+$0x50] =	vst v18  }
0x19d: {  	v12 =	vor.u32 $0x380, v12;
	v11 =	vld.idx.msk [tilespmem:v11+s14+$0x0], $0xffff;
	[tilespmem:s26+$0xFFFFFFE0] =	vst v14  }
0x19e: {  	v58 =	vor.u32 $0x200, v5;
	[tilespmem:s26+$0xFFFFFF20] =	vst v23;
	v19 =	vld.idx.msk [tilespmem:v56+s14+$0x0], $0xffff  }
0x19f: {  	v14 =	vor.u32 $0x300, v6;
	[tilespmem:s26+$0xFFFFFFB0] =	vst v13;
	v59 =	vld.idx.msk [tilespmem:v24+s14+$0x0], $0xffff  }
0x1a0: {  	v7 =	vor.u32 $0x380, v7;
	[tilespmem:s26+$0xFFFFFF90] =	vst v8;
	v8 =	vld.idx.msk [tilespmem:v57+s14+$0x0], $0xffff  }
0x1a1: {  	v13 =	vor.u32 $0x300, v10;
	[tilespmem:s26+$0x80] =	vst v4;
	v4 =	vld.idx.msk [tilespmem:v15+s14+$0x0], $0xffff  }
0x1a2: {  	v9 =	vor.u32 $0x380, v9;
	v12 =	vld.idx.msk [tilespmem:v12+s14+$0x0], $0xffff;
	[tilespmem:s26+$0xFFFFFFC0] =	vst v11  }
0x1a3: {  	v15 =	vld.idx.msk [tilespmem:v58+s14+$0x0], $0xffff;
	[tilespmem:s26+$0x60] =	vst v19  }
0x1a4: {  	v11 =	vor.u32 $0x380, v17;
	v14 =	vld.idx.msk [tilespmem:v14+s14+$0x0], $0xffff;
	[tilespmem:s26+$0xFFFFFFA0] =	vst v59  }
0x1a5: {  	v60 =	vor.u32 $0x280, v5;
	v62 =	vld.idx.msk [tilespmem:v7+s14+$0x0], $0xffff;
	[tilespmem:s26+$0x30] =	vst v8  }
0x1a6: {  	v61 =	vor.u32 $0x380, v6;
	v63 =	vld.idx.msk [tilespmem:v13+s14+$0x0], $0xffff;
	[tilespmem:s26+$0x10] =	vst v4;
	v4 =	vshll.u32 v22, $0x3  }
0x1a7: {  	s28 =	simm.s32 $0x15300;
	[tilespmem:s26+$0xD0] =	vst v12;
	v8 =	vld.idx.msk [tilespmem:v9+s14+$0x0], $0xffff;
	v9 =	vand.u32 $0x7F, v22;
	v4 =	vand.u32 $0xFFFFFC00, v4  }
0x1a8: {  	v10 =	vor.u32 $0x380, v10;
	v12 =	vld [tilespmem:s29+$0xFFFFFFF0];
	[tilespmem:s28+$0xFFFFFF70] =	vst v15;
	v4 =	vor.u32 v9, v4  }
0x1a9: {  	v6 =	vld.idx.msk [tilespmem:v11+s14+$0x0], $0xffff;
	[tilespmem:s26+$0x40] =	vst v14;
	v14 =	vor.u32 $0x200, v4  }
0x1aa: {  	v11 =	vld.idx.msk [tilespmem:v60+s14+$0x0], $0xffff  }
0x1ab: {  	v13 =	vor.u32 $0x300, v5;
	v7 =	vld.idx.msk [tilespmem:v61+s14+$0x0], $0xffff;
	[tilespmem:s26+$0xE0] =	vst v62  }
0x1ac: {  	s0 =	simm.s32 $0x8;
	v9 =	vld [tilespmem:s29+$0xFFFFFFE0];
	[tilespmem:s26+$0x20] =	vst v63  }
.LBB2_9:
0x1ad: {  	s0 =	sadd.s32 $0x8, s0;
	v15 =	vor.u32 $0x280, v4;
	v16 =	vshll.u32 v3, $0x3;
	v5 =	vor.u32 $0x380, v5;
	v10 =	vld.idx.msk [tilespmem:v10+s14+$0x0], $0xffff  }
0x1ae: {  	v17 =	vshll.u32 v2, $0x3;
	v3 =	vand.u32 $0x7F, v3;
	s29 =	sadd.s32 $0x80, s29;
	p0 =	slt.u32 s0, $0xF8;
	v14 =	vld.idx.msk [tilespmem:v14+s14+$0x0], $0xffff;
	v16 =	vand.u32 $0xFFFFFC00, v16;
	[tilespmem:s26+$0xB0] =	vst v8  }
0x1af: {  	v18 =	vand.u32 $0x7F, v1;
	v2 =	vand.u32 $0x7F, v2;
	v17 =	vand.u32 $0xFFFFFC00, v17;
	v8 =	vld [tilespmem:s29+$0xFFFFFFD0];
	[tilespmem:s28+$0xFFFFFFF0] =	vst v11  }
0x1b0: {  	v17 =	vor.u32 v2, v17;
	v11 =	vand.u32 $0x7F, v12;
	v12 =	vshll.u32 v12, $0x3;
	v13 =	vld.idx.msk [tilespmem:v13+s14+$0x0], $0xffff;
	[tilespmem:s26+$0xC0] =	vst v7  }
0x1b1: {  	v20 =	vor.u32 $0x200, v17;
	v7 =	vld [tilespmem:s29+$0x0];
	v19 =	vand.u32 $0x7F, v9;
	v12 =	vand.u32 $0xFFFFFC00, v12;
	[tilespmem:s26+$0x90] =	vst v6  }
0x1b2: {  	v16 =	vor.u32 v3, v16;
	v6 =	vshll.u32 v0, $0x3;
	v9 =	vshll.u32 v9, $0x3;
	v2 =	vld [tilespmem:s29+$0x10]  }
0x1b3: {  	v6 =	vand.u32 $0xFFFFFC00, v6;
	v11 =	vor.u32 v11, v12;
	v12 =	vor.u32 $0x200, v16;
	v3 =	vld [tilespmem:s29+$0x20];
	[tilespmem:s26+$0xA0] =	vst v10;
	s26 =	smov.u32 s28  }
0x1b4: {  	v1 =	vshll.u32 v1, $0x3;
	v9 =	vand.u32 $0xFFFFFC00, v9;
	v10 =	vld [tilespmem:s29+$0x30];
	[tilespmem:s28+$0xFFFFFF00] =	vst v14;
	v14 =	vand.u32 $0x7F, v0;
	v0 =	vmovc v8  }
0x1b5: {  	v23 =	vand.u32 $0xFFFFFC00, v1;
	v8 =	vld.idx.msk [tilespmem:v15+s14+$0x0], $0xffff;
	v6 =	vor.u32 v14, v6;
	v14 =	vor.u32 $0x200, v11  }
0x1b6: {  	v18 =	vor.u32 v18, v23;
	v9 =	vor.u32 v19, v9;
	v15 =	vor.u32 $0x200, v6;
	v19 =	vld.idx.msk [tilespmem:v20+s14+$0x0], $0xffff;
	[tilespmem:s28+$0x70] =	vst v13  }
0x1b7: {  	v21 =	vor.u32 $0x200, v18;
	v13 =	vor.u32 $0x300, v4;
	v20 =	vor.u32 $0x200, v9;
	v1 =	vmovc v7;
	v22 =	vld.idx.msk [tilespmem:v5+s14+$0x0], $0xffff  }
0x1b8: {  	v7 =	vor.u32 $0x280, v17;
	v12 =	vld.idx.msk [tilespmem:v12+s14+$0x0], $0xffff  }
0x1b9: {  	v23 =	vld [tilespmem:s29+$0xFFFFFFC0];
	v5 =	vshll.u32 v10, $0x3  }
0x1ba: {  	v24 =	vor.u32 $0x280, v16;
	v10 =	vand.u32 $0x7F, v10;
	v5 =	vand.u32 $0xFFFFFC00, v5;
	v14 =	vld.idx.msk [tilespmem:v14+s14+$0x0], $0xffff  }
0x1bb: {  	v5 =	vor.u32 v10, v5;
	[tilespmem:s28+$0xFFFFFF80] =	vst v8;
	v8 =	vld.idx.msk [tilespmem:v15+s14+$0x0], $0xffff  }
0x1bc: {  	v10 =	vld.idx.msk [tilespmem:v13+s14+$0x0], $0xffff;
	v13 =	vor.u32 $0x280, v11;
	[tilespmem:s28+$0xFFFFFF50] =	vst v19  }
0x1bd: {  	v15 =	vor.u32 $0x380, v4;
	v19 =	vor.u32 $0x280, v6;
	v21 =	vld.idx.msk [tilespmem:v21+s14+$0x0], $0xffff;
	[tilespmem:s28+$0xF0] =	vst v22  }
0x1be: {  	v25 =	vor.u32 $0x280, v18;
	v22 =	vor.u32 $0x280, v9;
	v4 =	vshll.u32 v23, $0x3;
	v7 =	vld.idx.msk [tilespmem:v7+s14+$0x0], $0xffff;
	[tilespmem:s28+$0xFFFFFF60] =	vst v12  }
0x1bf: {  	v12 =	vand.u32 $0x7F, v23;
	v23 =	vor.u32 $0x300, v17;
	v4 =	vand.u32 $0xFFFFFC00, v4;
	v24 =	vld.idx.msk [tilespmem:v24+s14+$0x0], $0xffff  }
0x1c0: {  	v4 =	vor.u32 v12, v4;
	v12 =	vld.idx.msk [tilespmem:v20+s14+$0x0], $0xffff;
	[tilespmem:s28+$0xFFFFFF30] =	vst v14  }
0x1c1: {  	[tilespmem:s28+$0xFFFFFF10] =	vst v8;
	v8 =	vld.idx.msk [tilespmem:v13+s14+$0x0], $0xffff;
	v13 =	vor.u32 $0x300, v16  }
0x1c2: {  	[tilespmem:s28+$0x0] =	vst v10;
	v10 =	vld.idx.msk [tilespmem:v19+s14+$0x0], $0xffff  }
0x1c3: {  	v14 =	vld.idx.msk [tilespmem:v15+s14+$0x0], $0xffff;
	v15 =	vor.u32 $0x300, v11;
	[tilespmem:s28+$0xFFFFFF40] =	vst v21  }
0x1c4: {  	v19 =	vor.u32 $0x300, v6;
	v20 =	vld.idx.msk [tilespmem:v25+s14+$0x0], $0xffff;
	[tilespmem:s28+$0xFFFFFFD0] =	vst v7  }
0x1c5: {  	v21 =	vor.u32 $0x300, v9;
	v7 =	vor.u32 $0x200, v5;
	v25 =	vor.u32 $0x300, v18;
	v23 =	vld.idx.msk [tilespmem:v23+s14+$0x0], $0xffff;
	[tilespmem:s28+$0xFFFFFFE0] =	vst v24  }
0x1c6: {  	[tilespmem:s28+$0xFFFFFF20] =	vst v12;
	v12 =	vld.idx.msk [tilespmem:v13+s14+$0x0], $0xffff  }
0x1c7: {  	v13 =	vld.idx.msk [tilespmem:v22+s14+$0x0], $0xffff;
	[tilespmem:s28+$0xFFFFFFB0] =	vst v8;
	v8 =	vor.u32 $0x380, v17  }
0x1c8: {  	[tilespmem:s28+$0xFFFFFF90] =	vst v10;
	v15 =	vld.idx.msk [tilespmem:v15+s14+$0x0], $0xffff;
	v10 =	vor.u32 $0x380, v16  }
0x1c9: {  	[tilespmem:s28+$0x80] =	vst v14;
	v14 =	vld.idx.msk [tilespmem:v19+s14+$0x0], $0xffff  }
0x1ca: {  	v11 =	vor.u32 $0x380, v11;
	v7 =	vld.idx.msk [tilespmem:v7+s14+$0x0], $0xffff;
	[tilespmem:s28+$0xFFFFFFC0] =	vst v20  }
0x1cb: {  	v6 =	vor.u32 $0x380, v6;
	v16 =	vld.idx.msk [tilespmem:v25+s14+$0x0], $0xffff;
	[tilespmem:s28+$0x50] =	vst v23  }
0x1cc: {  	v17 =	vor.u32 $0x280, v5;
	v19 =	vld.idx.msk [tilespmem:v8+s14+$0x0], $0xffff;
	[tilespmem:s28+$0x60] =	vst v12  }
0x1cd: {  	v12 =	vor.u32 $0x380, v18;
	[tilespmem:s28+$0xFFFFFFA0] =	vst v13;
	v18 =	vld.idx.msk [tilespmem:v10+s14+$0x0], $0xffff  }
0x1ce: {  	v10 =	vor.u32 $0x380, v9;
	v20 =	vld.idx.msk [tilespmem:v21+s14+$0x0], $0xffff;
	[tilespmem:s28+$0x30] =	vst v15  }
0x1cf: {  	s28 =	sadd.s32 $0x200, s28;
	[tilespmem:s26+$0x10] =	vst v14;
	v8 =	vld.idx.msk [tilespmem:v11+s14+$0x0], $0xffff  }
.Ltmp3:
0x1d0: {  	[tilespmem:s28+$0xFFFFFF70] =	vst v7;
	v6 =	vld.idx.msk [tilespmem:v6+s14+$0x0], $0xffff;
	(pc) =	sbr.rel @p0 .LBB2_9-.Ltmp3, $4  }
0x1d1: {  	v14 =	vor.u32 $0x200, v4;
	v11 =	vld.idx.msk [tilespmem:v17+s14+$0x0], $0xffff;
	[tilespmem:s26+$0x40] =	vst v16  }
0x1d2: {  	v7 =	vld.idx.msk [tilespmem:v12+s14+$0x0], $0xffff;
	[tilespmem:s26+$0xD0] =	vst v19  }
0x1d3: {  	v13 =	vor.u32 $0x300, v5;
	v12 =	vld [tilespmem:s29+$0xFFFFFFF0];
	[tilespmem:s26+$0xE0] =	vst v18  }
0x1d4: {  	v9 =	vld [tilespmem:s29+$0xFFFFFFE0];
	[tilespmem:s26+$0x20] =	vst v20  }
0x1d5: {  	_ =	sdelay $0x1  }
0x1d6: {  	v15 =	vor.u32 $0x280, v4;
	v16 =	vshll.u32 v3, $0x3;
	v5 =	vor.u32 $0x380, v5  }
0x1d7: {  	v17 =	vshll.u32 v2, $0x3;
	v21 =	vand.u32 $0x7F, v3;
	v22 =	vand.u32 $0x7F, v2  }
0x1d8: {  	v14 =	vld.idx.msk [tilespmem:v14+s14+$0x0], $0xffff;
	v18 =	vshll.u32 v0, $0x3;
	v27 =	vand.u32 $0x7F, v0;
	v17 =	vand.u32 $0xFFFFFC00, v17  }
0x1d9: {  	v28 =	vshll.u32 v1, $0x3;
	v30 =	vand.u32 $0x7F, v1;
	[tilespmem:s28+$0xFFFFFFF0] =	vst v11;
	v2 =	vor.u32 v22, v17  }
0x1da: {  	v16 =	vand.u32 $0xFFFFFC00, v16;
	v25 =	vand.u32 $0xFFFFFC00, v18;
	v13 =	vld.idx.msk [tilespmem:v13+s14+$0x0], $0xffff;
	v17 =	vor.u32 $0x200, v2  }
0x1db: {  	v3 =	vor.u32 v21, v16;
	v0 =	vor.u32 v27, v25;
	v24 =	vshll.u32 v12, $0x3  }
0x1dc: {  	v23 =	vand.u32 $0x7F, v12;
	v26 =	vor.u32 $0x200, v3;
	v12 =	vand.u32 $0xFFFFFC00, v24  }
0x1dd: {  	v10 =	vld.idx.msk [tilespmem:v10+s14+$0x0], $0xffff;
	v35 =	vor.u32 $0x300, v4;
	v32 =	vor.u32 $0x200, v0;
	v11 =	vor.u32 v23, v12;
	[tilespmem:s28+$0xFFFFFF00] =	vst v14  }
0x1de: {  	[tilespmem:s26+$0xB0] =	vst v8;
	v33 =	vshll.u32 v9, $0x3;
	v14 =	vand.u32 $0xFFFFFC00, v28;
	v29 =	vor.u32 $0x200, v11;
	v31 =	vld.idx.msk [tilespmem:v15+s14+$0x0], $0xffff  }
0x1df: {  	v36 =	vand.u32 $0x7F, v9;
	v37 =	vand.u32 $0xFFFFFC00, v33;
	v1 =	vor.u32 v30, v14;
	[tilespmem:s28+$0x70] =	vst v13;
	v34 =	vld.idx.msk [tilespmem:v17+s14+$0x0], $0xffff  }
0x1e0: {  	[tilespmem:s26+$0x90] =	vst v6;
	v39 =	vor.u32 v36, v37;
	v38 =	vor.u32 $0x200, v1;
	v5 =	vld.idx.msk [tilespmem:v5+s14+$0x0], $0xffff  }
0x1e1: {  	[tilespmem:s26+$0xC0] =	vst v7;
	v42 =	vor.u32 $0x200, v39;
	v41 =	vld.idx.msk [tilespmem:v26+s14+$0x0], $0xffff  }
0x1e2: {  	v40 =	vor.u32 $0x280, v2;
	[tilespmem:s26+$0xA0] =	vst v10;
	v45 =	vld.idx.msk [tilespmem:v32+s14+$0x0], $0xffff  }
0x1e3: {  	v44 =	vor.u32 $0x280, v3;
	v43 =	vld.idx.msk [tilespmem:v29+s14+$0x0], $0xffff;
	[tilespmem:s28+$0xFFFFFF80] =	vst v31  }
0x1e4: {  	v47 =	vor.u32 $0x280, v0;
	v13 =	vld.idx.msk [tilespmem:v35+s14+$0x0], $0xffff;
	[tilespmem:s28+$0xFFFFFF50] =	vst v34  }
0x1e5: {  	v46 =	vor.u32 $0x280, v11;
	v17 =	vld.idx.msk [tilespmem:v38+s14+$0x0], $0xffff;
	[tilespmem:s28+$0xF0] =	vst v5  }
0x1e6: {  	v48 =	vor.u32 $0x280, v1;
	v50 =	vld.idx.msk [tilespmem:v42+s14+$0x0], $0xffff;
	[tilespmem:s28+$0xFFFFFF60] =	vst v41  }
0x1e7: {  	v49 =	vor.u32 $0x380, v4;
	[tilespmem:s28+$0xFFFFFF10] =	vst v45;
	v7 =	vld.idx.msk [tilespmem:v40+s14+$0x0], $0xffff  }
0x1e8: {  	v51 =	vor.u32 $0x280, v39;
	v52 =	vld.idx.msk [tilespmem:v44+s14+$0x0], $0xffff;
	[tilespmem:s28+$0xFFFFFF30] =	vst v43  }
0x1e9: {  	v53 =	vor.u32 $0x300, v2;
	v14 =	vld.idx.msk [tilespmem:v47+s14+$0x0], $0xffff;
	[tilespmem:s28+$0x0] =	vst v13  }
0x1ea: {  	v54 =	vor.u32 $0x300, v3;
	v15 =	vld.idx.msk [tilespmem:v46+s14+$0x0], $0xffff;
	[tilespmem:s28+$0xFFFFFF40] =	vst v17  }
0x1eb: {  	v57 =	vor.u32 $0x300, v0;
	[tilespmem:s28+$0xFFFFFF20] =	vst v50;
	v5 =	vld.idx.msk [tilespmem:v48+s14+$0x0], $0xffff  }
0x1ec: {  	v55 =	vor.u32 $0x300, v11;
	v4 =	vld.idx.msk [tilespmem:v49+s14+$0x0], $0xffff;
	[tilespmem:s28+$0xFFFFFFD0] =	vst v7  }
0x1ed: {  	v56 =	vor.u32 $0x300, v1;
	v10 =	vld.idx.msk [tilespmem:v51+s14+$0x0], $0xffff;
	[tilespmem:s28+$0xFFFFFFE0] =	vst v52  }
0x1ee: {  	v58 =	vor.u32 $0x300, v39;
	[tilespmem:s28+$0xFFFFFF90] =	vst v14;
	v8 =	vld.idx.msk [tilespmem:v53+s14+$0x0], $0xffff  }
0x1ef: {  	v2 =	vor.u32 $0x380, v2;
	v13 =	vld.idx.msk [tilespmem:v54+s14+$0x0], $0xffff;
	[tilespmem:s28+$0xFFFFFFB0] =	vst v15  }
0x1f0: {  	v3 =	vor.u32 $0x380, v3;
	v61 =	vld.idx.msk [tilespmem:v57+s14+$0x0], $0xffff;
	[tilespmem:s28+$0xFFFFFFC0] =	vst v5  }
0x1f1: {  	v0 =	vor.u32 $0x380, v0;
	v59 =	vld.idx.msk [tilespmem:v55+s14+$0x0], $0xffff;
	[tilespmem:s28+$0x80] =	vst v4  }
0x1f2: {  	v60 =	vor.u32 $0x380, v11;
	[tilespmem:s28+$0xFFFFFFA0] =	vst v10;
	v5 =	vld.idx.msk [tilespmem:v56+s14+$0x0], $0xffff  }
0x1f3: {  	v1 =	vor.u32 $0x380, v1;
	v62 =	vld.idx.msk [tilespmem:v58+s14+$0x0], $0xffff;
	[tilespmem:s28+$0x50] =	vst v8  }
0x1f4: {  	v6 =	vor.u32 $0x380, v39;
	[tilespmem:s28+$0x60] =	vst v13;
	v2 =	vld.idx.msk [tilespmem:v2+s14+$0x0], $0xffff  }
0x1f5: {  	[tilespmem:s28+$0x10] =	vst v61;
	v3 =	vld.idx.msk [tilespmem:v3+s14+$0x0], $0xffff  }
0x1f6: {  	v0 =	vld.idx.msk [tilespmem:v0+s14+$0x0], $0xffff;
	[tilespmem:s28+$0x30] =	vst v59  }
0x1f7: {  	v4 =	vld.idx.msk [tilespmem:v60+s14+$0x0], $0xffff;
	[tilespmem:s28+$0x40] =	vst v5  }
0x1f8: {  	[tilespmem:s28+$0x20] =	vst v62;
	v1 =	vld.idx.msk [tilespmem:v1+s14+$0x0], $0xffff  }
0x1f9: {  	s24 =	sadd.s32 $0x1, s24;
	v63 =	vld.idx.msk [tilespmem:v6+s14+$0x0], $0xffff;
	[tilespmem:s28+$0xD0] =	vst v2  }
0x1fa: {  	p0 =	sne.s32 s24, $0x10;
	[tilespmem:s28+$0xE0] =	vst v3  }
.Ltmp4:
0x1fb: {  	[tilespmem:s28+$0x90] =	vst v0;
	(pc) =	sbr.rel @p0 .LBB2_2-.Ltmp4, $4  }
0x1fc: {  	[tilespmem:s28+$0xB0] =	vst v4  }
0x1fd: {  	[tilespmem:s28+$0xC0] =	vst v1  }
0x1fe: {  	s0 =	sadd.s32 s25, s9;
	[tilespmem:s28+$0xA0] =	vst v63  }
0x1ff: {  	[hbm4b:s0+s16] =	stream.strided.scatter [tilespmem:s19], [sflag:$0x4], $0x4000, s17, s16, $0x38;
	[tilespmem:$0x19000] =	vst v63  }
0x200: {  	s23 =	sadd.s32 $0x1, s23  }
0x201: {  	_ =	swait.ge [sflag:s21], $0x4000;
	p0 =	sne.s32 s23, s11  }
.Ltmp5:
0x202: {  	[sflag:s21] =	ssyncset.done $0x0;
	(pc) =	sbr.rel @p0 .LBB2_1-.Ltmp5, $4  }
0x203: {  	[sflag:s21] =	ssyncadd.s32 $0xFFFFC000  }
0x204: {  	_ =	swait.ge [sflag:s22], $0x4000  }
0x205: {  	[sflag:s22] =	ssyncset.done $0x0  }
0x206: {  	[sflag:s22] =	ssyncadd.s32 $0xFFFFC000  }
0x207: {  	_ =	sfence.sel $0x180000  }
0x208: {  	[bflag:$0x0] =	sbarrier.arrive $0xFFFF  }
0x209: {  	_ =	strace $0x90000047  }
0x20a: {  	[bflag:$0x2] =	sbarrier.arrive $0xFFFF  }
0x20b: {  	p0 =	sne.s32 s2, $0x0;
	s0 =	rddreg [dreg:$0x3]  }
0x20c: {  	s0 =	sadd.s32 @!p0 $0x100000, s0  }
0x20d: {  	[sflag:s0] =	ssyncadd.tile.s32 @!p0 $0x1;
	_ =	shalt  }
.Lfunc_end2:
_tile_overlayer_lowered:
.L_overlay_start_2:
0x20e: {  	(tag) =	ssettag $0x2  }
0x20f: {  	s0 =	rddreg [dreg:$0x0];
	s2 =	stileid.u32  }
0x210: {  	s1 =	rddreg [dreg:$0x1];
	p0 =	sne.s32 s2, $0x0  }
0x211: {  	s3 =	rddreg [dreg:$0x2];
	[bflag:$0x3] =	sbarrier.arrive $0xFFFF;
	s2 =	simm.s32 @!p0 $0x1C05  }
0x212: {  	[timem:s3], [sflag:s2] =	dma.local @!p0 [hbm:s0], s1  }
0x213: {  	s0 =	simm.s32 @!p0 $0x5  }
0x214: {  	_ =	swait.ge @!p0 [sflag:s0], s1  }
0x215: {  	s1 =	ssub.s32 @!p0 $0x0, s1;
	[sflag:s0] =	ssyncset.done @!p0 $0x0  }
0x216: {  	[sflag:s0] =	ssyncadd.s32 @!p0 s1  }
0x217: {  	[bflag:$0x3] =	sbarrier.arrive $0xFFFF  }
0x218: {  	_ =	shalt  }

</sc_bundles>
